<compile_context>
chip_gen: v7x
topology: tpu7x:2x2x1
jax: 0.10.2.dev20260603
libtpu: 0.0.44.dev20260713+nightly
codegen_flags: <defaults>
</compile_context>

<pallas_src>
import functools

import jax
import jax.numpy as jnp
from jax import lax
from jax.experimental import pallas as pl
from jax.experimental.pallas import tpu as pltpu
from jax.experimental.pallas import tpu_sc as plsc

B = 16384
EG = 16
EM = 32
DOUT = EG + EM + EM
NC = 2
NS = 16
NW = NC * NS
BPW = B // NW
CH = 4
NCHK = BPW // CH
LW = 128
ROWS_PER_IDX = 2 * (EG + EM)


@functools.cache
def _get_sc_gather():
    mesh = plsc.VectorSubcoreMesh(core_axis_name="c", subcore_axis_name="s")

    @functools.partial(
        pl.kernel,
        mesh=mesh,
        out_type=jax.ShapeDtypeStruct((B * DOUT,), jnp.float32),
        scratch_types=[
            pltpu.SMEM((BPW,), jnp.int32),
            pltpu.SMEM((BPW,), jnp.int32),
            pltpu.VMEM((CH * ROWS_PER_IDX, LW), jnp.float32),
            pltpu.VMEM((CH * ROWS_PER_IDX, LW), jnp.float32),
            pltpu.VMEM((BPW,), jnp.int32),
            pltpu.VMEM((BPW,), jnp.int32),
            pltpu.VMEM((CH * DOUT,), jnp.float32),
            pltpu.VMEM((CH * DOUT,), jnp.float32),
            pltpu.SemaphoreType.DMA,
            pltpu.SemaphoreType.DMA,
            pltpu.SemaphoreType.DMA,
            pltpu.SemaphoreType.DMA,
        ],
        compiler_params=pltpu.CompilerParams(needs_layout_passes=False),
    )
    def _sc_gather(u_hbm, i_hbm, ugt, igt, umt, imt, dumm, out,
                   su, si, b0, b1, ivu, ivi, st0, st1, sem0, sem1, semo0, semo1):
        wid = lax.axis_index("s") * NC + lax.axis_index("c")
        base = wid * BPW
        pltpu.sync_copy(u_hbm.at[pl.ds(base, BPW)], ivu)
        pltpu.sync_copy(i_hbm.at[pl.ds(base, BPW)], ivi)

        def _fill(g, _):
            vu = ivu[pl.ds(g * 16, 16)]
            vi = ivi[pl.ds(g * 16, 16)]
            for l in range(16):
                su[g * 16 + l] = vu[l]
                si[g * 16 + l] = vi[l]
            return _

        lax.fori_loop(0, BPW // 16, _fill, None)
        lanes = lax.iota(jnp.int32, 16)

        def issue(chunk, bb, sem):
            def body(j, _):
                rbase = j * ROWS_PER_IDX
                ui = su[chunk * CH + j]
                ii = si[chunk * CH + j]
                uc = pl.multiple_of((ui >> 7) << 7, LW)
                ic = pl.multiple_of((ii >> 7) << 7, LW)
                pltpu.async_copy(ugt.at[:, pl.ds(uc, LW)],
                                 bb.at[pl.ds(rbase, EG), :], sem)
                pltpu.async_copy(umt.at[:, pl.ds(uc, LW)],
                                 bb.at[pl.ds(rbase + EG, EM), :], sem)
                pltpu.async_copy(igt.at[:, pl.ds(ic, LW)],
                                 bb.at[pl.ds(rbase + EG + EM, EG), :], sem)
                pltpu.async_copy(imt.at[:, pl.ds(ic, LW)],
                                 bb.at[pl.ds(rbase + 2 * EG + EM, EM), :], sem)
                return _

            lax.fori_loop(0, CH, body, None)

        def drain(bb, sem):
            pltpu.make_async_copy(dumm, bb, sem).wait()

        def extract(chunk, bb, st):
            def body(j, _):
                rbase = j * ROWS_PER_IDX
                ul = jnp.broadcast_to(su[chunk * CH + j] & (LW - 1), (16,))
                il = jnp.broadcast_to(si[chunk * CH + j] & (LW - 1), (16,))
                ug = plsc.load_gather(bb, [rbase + lanes, ul])
                ig = plsc.load_gather(bb, [rbase + EG + EM + lanes, il])
                um0 = plsc.load_gather(bb, [rbase + EG + lanes, ul])
                um1 = plsc.load_gather(bb, [rbase + EG + 16 + lanes, ul])
                im0 = plsc.load_gather(bb, [rbase + 2 * EG + EM + lanes, il])
                im1 = plsc.load_gather(bb, [rbase + 2 * EG + EM + 16 + lanes, il])
                sbase = j * DOUT
                st[pl.ds(sbase, 16)] = ug * ig
                st[pl.ds(sbase + EG, 16)] = um0
                st[pl.ds(sbase + EG + 16, 16)] = um1
                st[pl.ds(sbase + EG + EM, 16)] = im0
                st[pl.ds(sbase + EG + EM + 16, 16)] = im1
                return _

            lax.fori_loop(0, CH, body, None)

        issue(0, b0, sem0)

        def step(c, cur, nxt, scur, snxt, st, semo):
            @pl.when(c + 1 < NCHK)
            def _issue_next():
                issue(c + 1, nxt, snxt)

            drain(cur, scur)

            @pl.when(c >= 2)
            def _reclaim_st():
                pltpu.make_async_copy(
                    out.at[pl.ds(0, CH * DOUT)], st, semo).wait()

            extract(c, cur, st)
            pltpu.async_copy(
                st, out.at[pl.ds((base + c * CH) * DOUT, CH * DOUT)], semo)

        def chunk_body(c, _):
            @pl.when(c % 2 == 0)
            def _even():
                step(c, b0, b1, sem0, sem1, st0, semo0)

            @pl.when(c % 2 == 1)
            def _odd():
                step(c, b1, b0, sem1, sem0, st1, semo1)

            return _

        lax.fori_loop(0, NCHK, chunk_body, None)
        pltpu.make_async_copy(out.at[pl.ds(0, CH * DOUT)], st0, semo0).wait()
        pltpu.make_async_copy(out.at[pl.ds(0, CH * DOUT)], st1, semo1).wait()

    return _sc_gather


BLK = 4096


def _mlp_body(x, w1u, w1i, b1, w2, b2, w3, b3, wfg, wfm, bfr, out):
    xx = x[...]
    g = xx[:, :EG]
    um = xx[:, EG:EG + EM]
    im = xx[:, EG + EM:]
    h = jnp.dot(um, w1u[...], preferred_element_type=jnp.float32)
    h = h + jnp.dot(im, w1i[...], preferred_element_type=jnp.float32)
    h = jnp.maximum(h + b1[...], 0.0)
    h = jnp.maximum(jnp.dot(h, w2[...], preferred_element_type=jnp.float32) + b2[...], 0.0)
    h = jnp.maximum(jnp.dot(h, w3[...], preferred_element_type=jnp.float32) + b3[...], 0.0)
    z = jnp.sum(g * wfg[...], axis=1) + jnp.sum(h * wfm[...], axis=1)
    out[...] = jax.nn.sigmoid(z + jnp.sum(bfr[...]))


def _full(shape):
    return pl.BlockSpec(shape, lambda b: (0,) * len(shape))


def kernel(u, i, user_gmf, item_gmf, user_mlp, item_mlp,
           W1, b1, W2, b2, W3, b3, Wf, bf):
    dumm = jnp.zeros((CH * ROWS_PER_IDX, LW), jnp.float32)
    x = _get_sc_gather()(u.astype(jnp.int32), i.astype(jnp.int32),
                         user_gmf.T, item_gmf.T, user_mlp.T, item_mlp.T, dumm)
    x = x.reshape(B, DOUT)

    w1u, w1i = W1[:EM, :], W1[EM:, :]
    wfg, wfm = Wf[:EG, 0].reshape(1, EG), Wf[EG:, 0].reshape(1, EG)
    grid = B // BLK
    out = pl.pallas_call(
        _mlp_body,
        grid=(grid,),
        in_specs=[
            pl.BlockSpec((BLK, DOUT), lambda b: (b, 0)),
            _full((EM, 64)), _full((EM, 64)), _full((1, 64)),
            _full((64, 32)), _full((1, 32)),
            _full((32, EG)), _full((1, EG)),
            _full((1, EG)), _full((1, EG)), _full((1, 1)),
        ],
        out_specs=pl.BlockSpec((BLK,), lambda b: (b,)),
        out_shape=jax.ShapeDtypeStruct((B,), jnp.float32),
    )(x, w1u, w1i, b1.reshape(1, 64), W2, b2.reshape(1, 32),
      W3, b3.reshape(1, EG), wfg, wfm, bf.reshape(1, 1))
    return out

# --- scband reference (transcript-rebuilt; emitter-appended) ---
"""Pipeline reference for scband-neu-mf-52089363366370 (READ-ONLY COPY).

The authoritative reference and input builder live on the scoring server;
editing this copy changes nothing except your own understanding.
"""

import jax, jax.numpy as jnp
import numpy as np

NUM_USERS = 1000000
NUM_ITEMS = 1000000
EMB_GMF = 16
EMB_MLP = 32
MLP_LAYERS = (64, 32, 16)
BATCH = 16384


def _xavier(key, fan_in, fan_out):
    limit = float(np.sqrt(6.0 / (fan_in + fan_out)))
    return jax.random.uniform(key, (fan_in, fan_out), dtype=jnp.float32, minval=-limit, maxval=limit)


def setup_inputs(seed: int = 0) -> dict:
    key = jax.random.key(seed)
    ks = jax.random.split(key, 12)
    u = jax.random.randint(ks[0], (BATCH,), 0, NUM_USERS, dtype=jnp.int64 if jax.config.jax_enable_x64 else jnp.int32)
    i = jax.random.randint(ks[1], (BATCH,), 0, NUM_ITEMS, dtype=jnp.int64 if jax.config.jax_enable_x64 else jnp.int32)
    user_gmf = 0.01 * jax.random.normal(ks[2], (NUM_USERS, EMB_GMF), dtype=jnp.float32)
    item_gmf = 0.01 * jax.random.normal(ks[3], (NUM_ITEMS, EMB_GMF), dtype=jnp.float32)
    user_mlp = 0.01 * jax.random.normal(ks[4], (NUM_USERS, EMB_MLP), dtype=jnp.float32)
    item_mlp = 0.01 * jax.random.normal(ks[5], (NUM_ITEMS, EMB_MLP), dtype=jnp.float32)
    W1 = _xavier(ks[6], 2 * EMB_MLP, MLP_LAYERS[0])
    b1 = jnp.zeros((MLP_LAYERS[0],), dtype=jnp.float32)
    W2 = _xavier(ks[7], MLP_LAYERS[0], MLP_LAYERS[1])
    b2 = jnp.zeros((MLP_LAYERS[1],), dtype=jnp.float32)
    W3 = _xavier(ks[8], MLP_LAYERS[1], MLP_LAYERS[2])
    b3 = jnp.zeros((MLP_LAYERS[2],), dtype=jnp.float32)
    Wf = _xavier(ks[9], EMB_GMF + MLP_LAYERS[2], 1)
    bf = jnp.zeros((1,), dtype=jnp.float32)
    return {"u": u, "i": i, "user_gmf": user_gmf, "item_gmf": item_gmf,
            "user_mlp": user_mlp, "item_mlp": item_mlp,
            "W1": W1, "b1": b1, "W2": W2, "b2": b2, "W3": W3, "b3": b3,
            "Wf": Wf, "bf": bf}


def reference(u, i, user_gmf, item_gmf, user_mlp, item_mlp, W1, b1, W2, b2, W3, b3, Wf, bf):
    # GMF branch: elementwise product of embeddings
    g = jnp.take(user_gmf, u, axis=0) * jnp.take(item_gmf, i, axis=0)
    # MLP branch
    m = jnp.concatenate([jnp.take(user_mlp, u, axis=0), jnp.take(item_mlp, i, axis=0)], axis=1)
    m = jax.nn.relu(m @ W1 + b1)
    m = jax.nn.relu(m @ W2 + b2)
    m = jax.nn.relu(m @ W3 + b3)
    x = jnp.concatenate([g, m], axis=1)
    out = jax.nn.sigmoid((x @ Wf + bf).squeeze(-1))
    return out

if __name__ == "__main__":
    import jax
    _d = setup_inputs()
    print(jax.jit(kernel)(*tuple(_d.values())))

</pallas_src>

<mosaic_0001>
#map = affine_map<(d0, d1) -> (0)>
#map1 = affine_map<(d0, d1) -> (0, 0)>
module attributes {stable_mosaic.version = 14 : i64} {
  func.func @_sc_gather(%arg0: i32, %arg1: i32, %arg2: memref<16384xi32, #tpu.memory_space<hbm>>, %arg3: memref<16384xi32, #tpu.memory_space<hbm>>, %arg4: memref<16x1000000xf32, #tpu.memory_space<hbm>>, %arg5: memref<16x1000000xf32, #tpu.memory_space<hbm>>, %arg6: memref<32x1000000xf32, #tpu.memory_space<hbm>>, %arg7: memref<32x1000000xf32, #tpu.memory_space<hbm>>, %arg8: memref<384x128xf32, #tpu.memory_space<hbm>>, %arg9: memref<1310720xf32, #tpu.memory_space<hbm>>, %arg10: memref<512xi32, #tpu.memory_space<smem>>, %arg11: memref<512xi32, #tpu.memory_space<smem>>, %arg12: memref<384x128xf32, #tpu.memory_space<vmem>>, %arg13: memref<384x128xf32, #tpu.memory_space<vmem>>, %arg14: memref<512xi32, #tpu.memory_space<vmem>>, %arg15: memref<512xi32, #tpu.memory_space<vmem>>, %arg16: memref<320xf32, #tpu.memory_space<vmem>>, %arg17: memref<320xf32, #tpu.memory_space<vmem>>, %arg18: memref<!tpu.dma_semaphore, #tpu.memory_space<semaphore_mem>>, %arg19: memref<!tpu.dma_semaphore, #tpu.memory_space<semaphore_mem>>, %arg20: memref<!tpu.dma_semaphore, #tpu.memory_space<semaphore_mem>>, %arg21: memref<!tpu.dma_semaphore, #tpu.memory_space<semaphore_mem>>) attributes {dimension_semantics = [#tpu.dimension_semantics<core_parallel>, #tpu.dimension_semantics<subcore_parallel>], iteration_bounds = array<i64: 2, 16>, scalar_prefetch = 0 : i64, scratch_operands = 12 : i64, tpu.core_type = #tpu.core_type<sc_vector_subcore>, window_params = [{transform_indices = #map}, {transform_indices = #map}, {transform_indices = #map1}, {transform_indices = #map1}, {transform_indices = #map1}, {transform_indices = #map1}, {transform_indices = #map1}, {transform_indices = #map}]} {
    %mul3A = arith.constant 2 : i32
    %mul3A_0 = arith.muli %arg1, %mul3A : i32
    %add3A = arith.addi %mul3A_0, %arg0 : i32
    %mul3A_1 = arith.constant 512 : i32
    %mul3A_2 = arith.muli %add3A, %mul3A_1 : i32
    "tpu.region"() ({
      %run_scoped3A = tpu.sem_alloc : memref<!tpu.dma_semaphore, #tpu.memory_space<semaphore_mem>>
      %dma_start3A = tpu.memref_slice %arg2[%mul3A_2] : memref<16384xi32, #tpu.memory_space<hbm>> -> memref<512xi32, #tpu.memory_space<hbm>>
      %dma_start3A_24 = tpu.memref_slice %arg2[%mul3A_2] : memref<16384xi32, #tpu.memory_space<hbm>> -> memref<512xi32, #tpu.memory_space<hbm>>
      tpu.enqueue_dma source(%dma_start3A_24 : memref<512xi32, #tpu.memory_space<hbm>>) target(%arg14 : memref<512xi32, #tpu.memory_space<vmem>>) target_semaphore(%run_scoped3A : memref<!tpu.dma_semaphore, #tpu.memory_space<semaphore_mem>>)
      %dma_wait3A_25 = tpu.memref_slice %arg2[%mul3A_2] : memref<16384xi32, #tpu.memory_space<hbm>> -> memref<512xi32, #tpu.memory_space<hbm>>
      %dma_wait3A_26 = tpu.memref_slice %arg2[%mul3A_2] : memref<16384xi32, #tpu.memory_space<hbm>> -> memref<512xi32, #tpu.memory_space<hbm>>
      tpu.wait_dma2 semaphore(%run_scoped3A : memref<!tpu.dma_semaphore, #tpu.memory_space<semaphore_mem>>) src(%dma_wait3A_26 : memref<512xi32, #tpu.memory_space<hbm>>) dst(%arg14 : memref<512xi32, #tpu.memory_space<vmem>>)
      tpu.yield
    }) : () -> ()
    "tpu.region"() ({
      %run_scoped3A = tpu.sem_alloc : memref<!tpu.dma_semaphore, #tpu.memory_space<semaphore_mem>>
      %dma_start3A = tpu.memref_slice %arg3[%mul3A_2] : memref<16384xi32, #tpu.memory_space<hbm>> -> memref<512xi32, #tpu.memory_space<hbm>>
      %dma_start3A_24 = tpu.memref_slice %arg3[%mul3A_2] : memref<16384xi32, #tpu.memory_space<hbm>> -> memref<512xi32, #tpu.memory_space<hbm>>
      tpu.enqueue_dma source(%dma_start3A_24 : memref<512xi32, #tpu.memory_space<hbm>>) target(%arg15 : memref<512xi32, #tpu.memory_space<vmem>>) target_semaphore(%run_scoped3A : memref<!tpu.dma_semaphore, #tpu.memory_space<semaphore_mem>>)
      %dma_wait3A_25 = tpu.memref_slice %arg3[%mul3A_2] : memref<16384xi32, #tpu.memory_space<hbm>> -> memref<512xi32, #tpu.memory_space<hbm>>
      %dma_wait3A_26 = tpu.memref_slice %arg3[%mul3A_2] : memref<16384xi32, #tpu.memory_space<hbm>> -> memref<512xi32, #tpu.memory_space<hbm>>
      tpu.wait_dma2 semaphore(%run_scoped3A : memref<!tpu.dma_semaphore, #tpu.memory_space<semaphore_mem>>) src(%dma_wait3A_26 : memref<512xi32, #tpu.memory_space<hbm>>) dst(%arg15 : memref<512xi32, #tpu.memory_space<vmem>>)
      tpu.yield
    }) : () -> ()
    %scan3A = arith.constant 0 : i32
    %scan3A_3 = arith.constant 32 : i32
    %scan3A_4 = arith.addi %scan3A, %scan3A_3 : i32
    %scan3A_5 = arith.constant 1 : i32
    scf.for %scan3A_24 = %scan3A to %scan3A_4 step %scan3A_5  : i32 {
      %mul3A_25 = arith.constant 16 : i32
      %mul3A_26 = arith.muli %scan3A_24, %mul3A_25 : i32
      %get3A = arith.index_cast %mul3A_26 : i32 to index
      %get3A_27 = tpu.vector_load %arg14[%get3A] {strides = array<i32>} : memref<512xi32, #tpu.memory_space<vmem>>, vector<16xi32>,
      %mul3A_28 = arith.constant 16 : i32
      %mul3A_29 = arith.muli %scan3A_24, %mul3A_28 : i32
      %get3A_30 = arith.index_cast %mul3A_29 : i32 to index
      %get3A_31 = tpu.vector_load %arg15[%get3A_30] {strides = array<i32>} : memref<512xi32, #tpu.memory_space<vmem>>, vector<16xi32>,
      %slice3A = vector.extract_strided_slice %get3A_27 {offsets = [0], sizes = [1], strides = [1]} : vector<16xi32> to vector<1xi32>
      %squeeze3A = vector.extract %slice3A[0] : i32 from vector<1xi32>
      %mul3A_32 = arith.constant 16 : i32
      %mul3A_33 = arith.muli %scan3A_24, %mul3A_32 : i32
      %add3A_34 = arith.constant 0 : i32
      %add3A_35 = arith.addi %mul3A_33, %add3A_34 : i32
      %swap3A = arith.index_cast %add3A_35 : i32 to index
      %swap3A_36 = memref.load %arg10[%swap3A] : memref<512xi32, #tpu.memory_space<smem>>
      memref.store %squeeze3A, %arg10[%swap3A] : memref<512xi32, #tpu.memory_space<smem>>
      %slice3A_37 = vector.extract_strided_slice %get3A_31 {offsets = [0], sizes = [1], strides = [1]} : vector<16xi32> to vector<1xi32>
      %squeeze3A_38 = vector.extract %slice3A_37[0] : i32 from vector<1xi32>
      %mul3A_39 = arith.constant 16 : i32
      %mul3A_40 = arith.muli %scan3A_24, %mul3A_39 : i32
      %add3A_41 = arith.constant 0 : i32
      %add3A_42 = arith.addi %mul3A_40, %add3A_41 : i32
      %swap3A_43 = arith.index_cast %add3A_42 : i32 to index
      %swap3A_44 = memref.load %arg11[%swap3A_43] : memref<512xi32, #tpu.memory_space<smem>>
      memref.store %squeeze3A_38, %arg11[%swap3A_43] : memref<512xi32, #tpu.memory_space<smem>>
      %slice3A_45 = vector.extract_strided_slice %get3A_27 {offsets = [1], sizes = [1], strides = [1]} : vector<16xi32> to vector<1xi32>
      %squeeze3A_46 = vector.extract %slice3A_45[0] : i32 from vector<1xi32>
      %mul3A_47 = arith.constant 16 : i32
      %mul3A_48 = arith.muli %scan3A_24, %mul3A_47 : i32
      %add3A_49 = arith.constant 1 : i32
      %add3A_50 = arith.addi %mul3A_48, %add3A_49 : i32
      %swap3A_51 = arith.index_cast %add3A_50 : i32 to index
      %swap3A_52 = memref.load %arg10[%swap3A_51] : memref<512xi32, #tpu.memory_space<smem>>
      memref.store %squeeze3A_46, %arg10[%swap3A_51] : memref<512xi32, #tpu.memory_space<smem>>
      %slice3A_53 = vector.extract_strided_slice %get3A_31 {offsets = [1], sizes = [1], strides = [1]} : vector<16xi32> to vector<1xi32>
      %squeeze3A_54 = vector.extract %slice3A_53[0] : i32 from vector<1xi32>
      %mul3A_55 = arith.constant 16 : i32
      %mul3A_56 = arith.muli %scan3A_24, %mul3A_55 : i32
      %add3A_57 = arith.constant 1 : i32
      %add3A_58 = arith.addi %mul3A_56, %add3A_57 : i32
      %swap3A_59 = arith.index_cast %add3A_58 : i32 to index
      %swap3A_60 = memref.load %arg11[%swap3A_59] : memref<512xi32, #tpu.memory_space<smem>>
      memref.store %squeeze3A_54, %arg11[%swap3A_59] : memref<512xi32, #tpu.memory_space<smem>>
      %slice3A_61 = vector.extract_strided_slice %get3A_27 {offsets = [2], sizes = [1], strides = [1]} : vector<16xi32> to vector<1xi32>
      %squeeze3A_62 = vector.extract %slice3A_61[0] : i32 from vector<1xi32>
      %mul3A_63 = arith.constant 16 : i32
      %mul3A_64 = arith.muli %scan3A_24, %mul3A_63 : i32
      %add3A_65 = arith.constant 2 : i32
      %add3A_66 = arith.addi %mul3A_64, %add3A_65 : i32
      %swap3A_67 = arith.index_cast %add3A_66 : i32 to index
      %swap3A_68 = memref.load %arg10[%swap3A_67] : memref<512xi32, #tpu.memory_space<smem>>
      memref.store %squeeze3A_62, %arg10[%swap3A_67] : memref<512xi32, #tpu.memory_space<smem>>
      %slice3A_69 = vector.extract_strided_slice %get3A_31 {offsets = [2], sizes = [1], strides = [1]} : vector<16xi32> to vector<1xi32>
      %squeeze3A_70 = vector.extract %slice3A_69[0] : i32 from vector<1xi32>
      %mul3A_71 = arith.constant 16 : i32
      %mul3A_72 = arith.muli %scan3A_24, %mul3A_71 : i32
      %add3A_73 = arith.constant 2 : i32
      %add3A_74 = arith.addi %mul3A_72, %add3A_73 : i32
      %swap3A_75 = arith.index_cast %add3A_74 : i32 to index
      %swap3A_76 = memref.load %arg11[%swap3A_75] : memref<512xi32, #tpu.memory_space<smem>>
      memref.store %squeeze3A_70, %arg11[%swap3A_75] : memref<512xi32, #tpu.memory_space<smem>>
      %slice3A_77 = vector.extract_strided_slice %get3A_27 {offsets = [3], sizes = [1], strides = [1]} : vector<16xi32> to vector<1xi32>
      %squeeze3A_78 = vector.extract %slice3A_77[0] : i32 from vector<1xi32>
      %mul3A_79 = arith.constant 16 : i32
      %mul3A_80 = arith.muli %scan3A_24, %mul3A_79 : i32
      %add3A_81 = arith.constant 3 : i32
      %add3A_82 = arith.addi %mul3A_80, %add3A_81 : i32
      %swap3A_83 = arith.index_cast %add3A_82 : i32 to index
      %swap3A_84 = memref.load %arg10[%swap3A_83] : memref<512xi32, #tpu.memory_space<smem>>
      memref.store %squeeze3A_78, %arg10[%swap3A_83] : memref<512xi32, #tpu.memory_space<smem>>
      %slice3A_85 = vector.extract_strided_slice %get3A_31 {offsets = [3], sizes = [1], strides = [1]} : vector<16xi32> to vector<1xi32>
      %squeeze3A_86 = vector.extract %slice3A_85[0] : i32 from vector<1xi32>
      %mul3A_87 = arith.constant 16 : i32
      %mul3A_88 = arith.muli %scan3A_24, %mul3A_87 : i32
      %add3A_89 = arith.constant 3 : i32
      %add3A_90 = arith.addi %mul3A_88, %add3A_89 : i32
      %swap3A_91 = arith.index_cast %add3A_90 : i32 to index
      %swap3A_92 = memref.load %arg11[%swap3A_91] : memref<512xi32, #tpu.memory_space<smem>>
      memref.store %squeeze3A_86, %arg11[%swap3A_91] : memref<512xi32, #tpu.memory_space<smem>>
      %slice3A_93 = vector.extract_strided_slice %get3A_27 {offsets = [4], sizes = [1], strides = [1]} : vector<16xi32> to vector<1xi32>
      %squeeze3A_94 = vector.extract %slice3A_93[0] : i32 from vector<1xi32>
      %mul3A_95 = arith.constant 16 : i32
      %mul3A_96 = arith.muli %scan3A_24, %mul3A_95 : i32
      %add3A_97 = arith.constant 4 : i32
      %add3A_98 = arith.addi %mul3A_96, %add3A_97 : i32
      %swap3A_99 = arith.index_cast %add3A_98 : i32 to index
      %swap3A_100 = memref.load %arg10[%swap3A_99] : memref<512xi32, #tpu.memory_space<smem>>
      memref.store %squeeze3A_94, %arg10[%swap3A_99] : memref<512xi32, #tpu.memory_space<smem>>
      %slice3A_101 = vector.extract_strided_slice %get3A_31 {offsets = [4], sizes = [1], strides = [1]} : vector<16xi32> to vector<1xi32>
      %squeeze3A_102 = vector.extract %slice3A_101[0] : i32 from vector<1xi32>
      %mul3A_103 = arith.constant 16 : i32
      %mul3A_104 = arith.muli %scan3A_24, %mul3A_103 : i32
      %add3A_105 = arith.constant 4 : i32
      %add3A_106 = arith.addi %mul3A_104, %add3A_105 : i32
      %swap3A_107 = arith.index_cast %add3A_106 : i32 to index
      %swap3A_108 = memref.load %arg11[%swap3A_107] : memref<512xi32, #tpu.memory_space<smem>>
      memref.store %squeeze3A_102, %arg11[%swap3A_107] : memref<512xi32, #tpu.memory_space<smem>>
      %slice3A_109 = vector.extract_strided_slice %get3A_27 {offsets = [5], sizes = [1], strides = [1]} : vector<16xi32> to vector<1xi32>
      %squeeze3A_110 = vector.extract %slice3A_109[0] : i32 from vector<1xi32>
      %mul3A_111 = arith.constant 16 : i32
      %mul3A_112 = arith.muli %scan3A_24, %mul3A_111 : i32
      %add3A_113 = arith.constant 5 : i32
      %add3A_114 = arith.addi %mul3A_112, %add3A_113 : i32
      %swap3A_115 = arith.index_cast %add3A_114 : i32 to index
      %swap3A_116 = memref.load %arg10[%swap3A_115] : memref<512xi32, #tpu.memory_space<smem>>
      memref.store %squeeze3A_110, %arg10[%swap3A_115] : memref<512xi32, #tpu.memory_space<smem>>
      %slice3A_117 = vector.extract_strided_slice %get3A_31 {offsets = [5], sizes = [1], strides = [1]} : vector<16xi32> to vector<1xi32>
      %squeeze3A_118 = vector.extract %slice3A_117[0] : i32 from vector<1xi32>
      %mul3A_119 = arith.constant 16 : i32
      %mul3A_120 = arith.muli %scan3A_24, %mul3A_119 : i32
      %add3A_121 = arith.constant 5 : i32
      %add3A_122 = arith.addi %mul3A_120, %add3A_121 : i32
      %swap3A_123 = arith.index_cast %add3A_122 : i32 to index
      %swap3A_124 = memref.load %arg11[%swap3A_123] : memref<512xi32, #tpu.memory_space<smem>>
      memref.store %squeeze3A_118, %arg11[%swap3A_123] : memref<512xi32, #tpu.memory_space<smem>>
      %slice3A_125 = vector.extract_strided_slice %get3A_27 {offsets = [6], sizes = [1], strides = [1]} : vector<16xi32> to vector<1xi32>
      %squeeze3A_126 = vector.extract %slice3A_125[0] : i32 from vector<1xi32>
      %mul3A_127 = arith.constant 16 : i32
      %mul3A_128 = arith.muli %scan3A_24, %mul3A_127 : i32
      %add3A_129 = arith.constant 6 : i32
      %add3A_130 = arith.addi %mul3A_128, %add3A_129 : i32
      %swap3A_131 = arith.index_cast %add3A_130 : i32 to index
      %swap3A_132 = memref.load %arg10[%swap3A_131] : memref<512xi32, #tpu.memory_space<smem>>
      memref.store %squeeze3A_126, %arg10[%swap3A_131] : memref<512xi32, #tpu.memory_space<smem>>
      %slice3A_133 = vector.extract_strided_slice %get3A_31 {offsets = [6], sizes = [1], strides = [1]} : vector<16xi32> to vector<1xi32>
      %squeeze3A_134 = vector.extract %slice3A_133[0] : i32 from vector<1xi32>
      %mul3A_135 = arith.constant 16 : i32
      %mul3A_136 = arith.muli %scan3A_24, %mul3A_135 : i32
      %add3A_137 = arith.constant 6 : i32
      %add3A_138 = arith.addi %mul3A_136, %add3A_137 : i32
      %swap3A_139 = arith.index_cast %add3A_138 : i32 to index
      %swap3A_140 = memref.load %arg11[%swap3A_139] : memref<512xi32, #tpu.memory_space<smem>>
      memref.store %squeeze3A_134, %arg11[%swap3A_139] : memref<512xi32, #tpu.memory_space<smem>>
      %slice3A_141 = vector.extract_strided_slice %get3A_27 {offsets = [7], sizes = [1], strides = [1]} : vector<16xi32> to vector<1xi32>
      %squeeze3A_142 = vector.extract %slice3A_141[0] : i32 from vector<1xi32>
      %mul3A_143 = arith.constant 16 : i32
      %mul3A_144 = arith.muli %scan3A_24, %mul3A_143 : i32
      %add3A_145 = arith.constant 7 : i32
      %add3A_146 = arith.addi %mul3A_144, %add3A_145 : i32
      %swap3A_147 = arith.index_cast %add3A_146 : i32 to index
      %swap3A_148 = memref.load %arg10[%swap3A_147] : memref<512xi32, #tpu.memory_space<smem>>
      memref.store %squeeze3A_142, %arg10[%swap3A_147] : memref<512xi32, #tpu.memory_space<smem>>
      %slice3A_149 = vector.extract_strided_slice %get3A_31 {offsets = [7], sizes = [1], strides = [1]} : vector<16xi32> to vector<1xi32>
      %squeeze3A_150 = vector.extract %slice3A_149[0] : i32 from vector<1xi32>
      %mul3A_151 = arith.constant 16 : i32
      %mul3A_152 = arith.muli %scan3A_24, %mul3A_151 : i32
      %add3A_153 = arith.constant 7 : i32
      %add3A_154 = arith.addi %mul3A_152, %add3A_153 : i32
      %swap3A_155 = arith.index_cast %add3A_154 : i32 to index
      %swap3A_156 = memref.load %arg11[%swap3A_155] : memref<512xi32, #tpu.memory_space<smem>>
      memref.store %squeeze3A_150, %arg11[%swap3A_155] : memref<512xi32, #tpu.memory_space<smem>>
      %slice3A_157 = vector.extract_strided_slice %get3A_27 {offsets = [8], sizes = [1], strides = [1]} : vector<16xi32> to vector<1xi32>
      %squeeze3A_158 = vector.extract %slice3A_157[0] : i32 from vector<1xi32>
      %mul3A_159 = arith.constant 16 : i32
      %mul3A_160 = arith.muli %scan3A_24, %mul3A_159 : i32
      %add3A_161 = arith.constant 8 : i32
      %add3A_162 = arith.addi %mul3A_160, %add3A_161 : i32
      %swap3A_163 = arith.index_cast %add3A_162 : i32 to index
      %swap3A_164 = memref.load %arg10[%swap3A_163] : memref<512xi32, #tpu.memory_space<smem>>
      memref.store %squeeze3A_158, %arg10[%swap3A_163] : memref<512xi32, #tpu.memory_space<smem>>
      %slice3A_165 = vector.extract_strided_slice %get3A_31 {offsets = [8], sizes = [1], strides = [1]} : vector<16xi32> to vector<1xi32>
      %squeeze3A_166 = vector.extract %slice3A_165[0] : i32 from vector<1xi32>
      %mul3A_167 = arith.constant 16 : i32
      %mul3A_168 = arith.muli %scan3A_24, %mul3A_167 : i32
      %add3A_169 = arith.constant 8 : i32
      %add3A_170 = arith.addi %mul3A_168, %add3A_169 : i32
      %swap3A_171 = arith.index_cast %add3A_170 : i32 to index
      %swap3A_172 = memref.load %arg11[%swap3A_171] : memref<512xi32, #tpu.memory_space<smem>>
      memref.store %squeeze3A_166, %arg11[%swap3A_171] : memref<512xi32, #tpu.memory_space<smem>>
      %slice3A_173 = vector.extract_strided_slice %get3A_27 {offsets = [9], sizes = [1], strides = [1]} : vector<16xi32> to vector<1xi32>
      %squeeze3A_174 = vector.extract %slice3A_173[0] : i32 from vector<1xi32>
      %mul3A_175 = arith.constant 16 : i32
      %mul3A_176 = arith.muli %scan3A_24, %mul3A_175 : i32
      %add3A_177 = arith.constant 9 : i32
      %add3A_178 = arith.addi %mul3A_176, %add3A_177 : i32
      %swap3A_179 = arith.index_cast %add3A_178 : i32 to index
      %swap3A_180 = memref.load %arg10[%swap3A_179] : memref<512xi32, #tpu.memory_space<smem>>
      memref.store %squeeze3A_174, %arg10[%swap3A_179] : memref<512xi32, #tpu.memory_space<smem>>
      %slice3A_181 = vector.extract_strided_slice %get3A_31 {offsets = [9], sizes = [1], strides = [1]} : vector<16xi32> to vector<1xi32>
      %squeeze3A_182 = vector.extract %slice3A_181[0] : i32 from vector<1xi32>
      %mul3A_183 = arith.constant 16 : i32
      %mul3A_184 = arith.muli %scan3A_24, %mul3A_183 : i32
      %add3A_185 = arith.constant 9 : i32
      %add3A_186 = arith.addi %mul3A_184, %add3A_185 : i32
      %swap3A_187 = arith.index_cast %add3A_186 : i32 to index
      %swap3A_188 = memref.load %arg11[%swap3A_187] : memref<512xi32, #tpu.memory_space<smem>>
      memref.store %squeeze3A_182, %arg11[%swap3A_187] : memref<512xi32, #tpu.memory_space<smem>>
      %slice3A_189 = vector.extract_strided_slice %get3A_27 {offsets = [10], sizes = [1], strides = [1]} : vector<16xi32> to vector<1xi32>
      %squeeze3A_190 = vector.extract %slice3A_189[0] : i32 from vector<1xi32>
      %mul3A_191 = arith.constant 16 : i32
      %mul3A_192 = arith.muli %scan3A_24, %mul3A_191 : i32
      %add3A_193 = arith.constant 10 : i32
      %add3A_194 = arith.addi %mul3A_192, %add3A_193 : i32
      %swap3A_195 = arith.index_cast %add3A_194 : i32 to index
      %swap3A_196 = memref.load %arg10[%swap3A_195] : memref<512xi32, #tpu.memory_space<smem>>
      memref.store %squeeze3A_190, %arg10[%swap3A_195] : memref<512xi32, #tpu.memory_space<smem>>
      %slice3A_197 = vector.extract_strided_slice %get3A_31 {offsets = [10], sizes = [1], strides = [1]} : vector<16xi32> to vector<1xi32>
      %squeeze3A_198 = vector.extract %slice3A_197[0] : i32 from vector<1xi32>
      %mul3A_199 = arith.constant 16 : i32
      %mul3A_200 = arith.muli %scan3A_24, %mul3A_199 : i32
      %add3A_201 = arith.constant 10 : i32
      %add3A_202 = arith.addi %mul3A_200, %add3A_201 : i32
      %swap3A_203 = arith.index_cast %add3A_202 : i32 to index
      %swap3A_204 = memref.load %arg11[%swap3A_203] : memref<512xi32, #tpu.memory_space<smem>>
      memref.store %squeeze3A_198, %arg11[%swap3A_203] : memref<512xi32, #tpu.memory_space<smem>>
      %slice3A_205 = vector.extract_strided_slice %get3A_27 {offsets = [11], sizes = [1], strides = [1]} : vector<16xi32> to vector<1xi32>
      %squeeze3A_206 = vector.extract %slice3A_205[0] : i32 from vector<1xi32>
      %mul3A_207 = arith.constant 16 : i32
      %mul3A_208 = arith.muli %scan3A_24, %mul3A_207 : i32
      %add3A_209 = arith.constant 11 : i32
      %add3A_210 = arith.addi %mul3A_208, %add3A_209 : i32
      %swap3A_211 = arith.index_cast %add3A_210 : i32 to index
      %swap3A_212 = memref.load %arg10[%swap3A_211] : memref<512xi32, #tpu.memory_space<smem>>
      memref.store %squeeze3A_206, %arg10[%swap3A_211] : memref<512xi32, #tpu.memory_space<smem>>
      %slice3A_213 = vector.extract_strided_slice %get3A_31 {offsets = [11], sizes = [1], strides = [1]} : vector<16xi32> to vector<1xi32>
      %squeeze3A_214 = vector.extract %slice3A_213[0] : i32 from vector<1xi32>
      %mul3A_215 = arith.constant 16 : i32
      %mul3A_216 = arith.muli %scan3A_24, %mul3A_215 : i32
      %add3A_217 = arith.constant 11 : i32
      %add3A_218 = arith.addi %mul3A_216, %add3A_217 : i32
      %swap3A_219 = arith.index_cast %add3A_218 : i32 to index
      %swap3A_220 = memref.load %arg11[%swap3A_219] : memref<512xi32, #tpu.memory_space<smem>>
      memref.store %squeeze3A_214, %arg11[%swap3A_219] : memref<512xi32, #tpu.memory_space<smem>>
      %slice3A_221 = vector.extract_strided_slice %get3A_27 {offsets = [12], sizes = [1], strides = [1]} : vector<16xi32> to vector<1xi32>
      %squeeze3A_222 = vector.extract %slice3A_221[0] : i32 from vector<1xi32>
      %mul3A_223 = arith.constant 16 : i32
      %mul3A_224 = arith.muli %scan3A_24, %mul3A_223 : i32
      %add3A_225 = arith.constant 12 : i32
      %add3A_226 = arith.addi %mul3A_224, %add3A_225 : i32
      %swap3A_227 = arith.index_cast %add3A_226 : i32 to index
      %swap3A_228 = memref.load %arg10[%swap3A_227] : memref<512xi32, #tpu.memory_space<smem>>
      memref.store %squeeze3A_222, %arg10[%swap3A_227] : memref<512xi32, #tpu.memory_space<smem>>
      %slice3A_229 = vector.extract_strided_slice %get3A_31 {offsets = [12], sizes = [1], strides = [1]} : vector<16xi32> to vector<1xi32>
      %squeeze3A_230 = vector.extract %slice3A_229[0] : i32 from vector<1xi32>
      %mul3A_231 = arith.constant 16 : i32
      %mul3A_232 = arith.muli %scan3A_24, %mul3A_231 : i32
      %add3A_233 = arith.constant 12 : i32
      %add3A_234 = arith.addi %mul3A_232, %add3A_233 : i32
      %swap3A_235 = arith.index_cast %add3A_234 : i32 to index
      %swap3A_236 = memref.load %arg11[%swap3A_235] : memref<512xi32, #tpu.memory_space<smem>>
      memref.store %squeeze3A_230, %arg11[%swap3A_235] : memref<512xi32, #tpu.memory_space<smem>>
      %slice3A_237 = vector.extract_strided_slice %get3A_27 {offsets = [13], sizes = [1], strides = [1]} : vector<16xi32> to vector<1xi32>
      %squeeze3A_238 = vector.extract %slice3A_237[0] : i32 from vector<1xi32>
      %mul3A_239 = arith.constant 16 : i32
      %mul3A_240 = arith.muli %scan3A_24, %mul3A_239 : i32
      %add3A_241 = arith.constant 13 : i32
      %add3A_242 = arith.addi %mul3A_240, %add3A_241 : i32
      %swap3A_243 = arith.index_cast %add3A_242 : i32 to index
      %swap3A_244 = memref.load %arg10[%swap3A_243] : memref<512xi32, #tpu.memory_space<smem>>
      memref.store %squeeze3A_238, %arg10[%swap3A_243] : memref<512xi32, #tpu.memory_space<smem>>
      %slice3A_245 = vector.extract_strided_slice %get3A_31 {offsets = [13], sizes = [1], strides = [1]} : vector<16xi32> to vector<1xi32>
      %squeeze3A_246 = vector.extract %slice3A_245[0] : i32 from vector<1xi32>
      %mul3A_247 = arith.constant 16 : i32
      %mul3A_248 = arith.muli %scan3A_24, %mul3A_247 : i32
      %add3A_249 = arith.constant 13 : i32
      %add3A_250 = arith.addi %mul3A_248, %add3A_249 : i32
      %swap3A_251 = arith.index_cast %add3A_250 : i32 to index
      %swap3A_252 = memref.load %arg11[%swap3A_251] : memref<512xi32, #tpu.memory_space<smem>>
      memref.store %squeeze3A_246, %arg11[%swap3A_251] : memref<512xi32, #tpu.memory_space<smem>>
      %slice3A_253 = vector.extract_strided_slice %get3A_27 {offsets = [14], sizes = [1], strides = [1]} : vector<16xi32> to vector<1xi32>
      %squeeze3A_254 = vector.extract %slice3A_253[0] : i32 from vector<1xi32>
      %mul3A_255 = arith.constant 16 : i32
      %mul3A_256 = arith.muli %scan3A_24, %mul3A_255 : i32
      %add3A_257 = arith.constant 14 : i32
      %add3A_258 = arith.addi %mul3A_256, %add3A_257 : i32
      %swap3A_259 = arith.index_cast %add3A_258 : i32 to index
      %swap3A_260 = memref.load %arg10[%swap3A_259] : memref<512xi32, #tpu.memory_space<smem>>
      memref.store %squeeze3A_254, %arg10[%swap3A_259] : memref<512xi32, #tpu.memory_space<smem>>
      %slice3A_261 = vector.extract_strided_slice %get3A_31 {offsets = [14], sizes = [1], strides = [1]} : vector<16xi32> to vector<1xi32>
      %squeeze3A_262 = vector.extract %slice3A_261[0] : i32 from vector<1xi32>
      %mul3A_263 = arith.constant 16 : i32
      %mul3A_264 = arith.muli %scan3A_24, %mul3A_263 : i32
      %add3A_265 = arith.constant 14 : i32
      %add3A_266 = arith.addi %mul3A_264, %add3A_265 : i32
      %swap3A_267 = arith.index_cast %add3A_266 : i32 to index
      %swap3A_268 = memref.load %arg11[%swap3A_267] : memref<512xi32, #tpu.memory_space<smem>>
      memref.store %squeeze3A_262, %arg11[%swap3A_267] : memref<512xi32, #tpu.memory_space<smem>>
      %slice3A_269 = vector.extract_strided_slice %get3A_27 {offsets = [15], sizes = [1], strides = [1]} : vector<16xi32> to vector<1xi32>
      %squeeze3A_270 = vector.extract %slice3A_269[0] : i32 from vector<1xi32>
      %mul3A_271 = arith.constant 16 : i32
      %mul3A_272 = arith.muli %scan3A_24, %mul3A_271 : i32
      %add3A_273 = arith.constant 15 : i32
      %add3A_274 = arith.addi %mul3A_272, %add3A_273 : i32
      %swap3A_275 = arith.index_cast %add3A_274 : i32 to index
      %swap3A_276 = memref.load %arg10[%swap3A_275] : memref<512xi32, #tpu.memory_space<smem>>
      memref.store %squeeze3A_270, %arg10[%swap3A_275] : memref<512xi32, #tpu.memory_space<smem>>
      %slice3A_277 = vector.extract_strided_slice %get3A_31 {offsets = [15], sizes = [1], strides = [1]} : vector<16xi32> to vector<1xi32>
      %squeeze3A_278 = vector.extract %slice3A_277[0] : i32 from vector<1xi32>
      %mul3A_279 = arith.constant 16 : i32
      %mul3A_280 = arith.muli %scan3A_24, %mul3A_279 : i32
      %add3A_281 = arith.constant 15 : i32
      %add3A_282 = arith.addi %mul3A_280, %add3A_281 : i32
      %swap3A_283 = arith.index_cast %add3A_282 : i32 to index
      %swap3A_284 = memref.load %arg11[%swap3A_283] : memref<512xi32, #tpu.memory_space<smem>>
      memref.store %squeeze3A_278, %arg11[%swap3A_283] : memref<512xi32, #tpu.memory_space<smem>>
    }
    %scan3A_6 = arith.constant 32 : i32
    %iota3A = tpu.iota {dimensions = array<i32: 0>} : vector<16xi32>
    %scan3A_7 = arith.constant 0 : i32
    %scan3A_8 = arith.constant 4 : i32
    %scan3A_9 = arith.addi %scan3A_7, %scan3A_8 : i32
    %scan3A_10 = arith.constant 1 : i32
    scf.for %scan3A_24 = %scan3A_7 to %scan3A_9 step %scan3A_10  : i32 {
      %mul3A_25 = arith.constant 96 : i32
      %mul3A_26 = arith.muli %scan3A_24, %mul3A_25 : i32
      %add3A_27 = arith.constant 0 : i32
      %add3A_28 = arith.addi %add3A_27, %scan3A_24 : i32
      %get3A = arith.index_cast %add3A_28 : i32 to index
      %get3A_29 = memref.load %arg10[%get3A] : memref<512xi32, #tpu.memory_space<smem>>
      %add3A_30 = arith.constant 0 : i32
      %add3A_31 = arith.addi %add3A_30, %scan3A_24 : i32
      %get3A_32 = arith.index_cast %add3A_31 : i32 to index
      %get3A_33 = memref.load %arg11[%get3A_32] : memref<512xi32, #tpu.memory_space<smem>>
      %shift_right_arithmetic3A = arith.constant 7 : i32
      %shift_right_arithmetic3A_34 = arith.shrsi %get3A_29, %shift_right_arithmetic3A : i32
      %shift_left3A = arith.constant 7 : i32
      %shift_left3A_35 = arith.shli %shift_right_arithmetic3A_34, %shift_left3A : i32
      %multiple_of3A = tpu.assume_multiple %shift_left3A_35, 128 : i32
      %shift_right_arithmetic3A_36 = arith.constant 7 : i32
      %shift_right_arithmetic3A_37 = arith.shrsi %get3A_33, %shift_right_arithmetic3A_36 : i32
      %shift_left3A_38 = arith.constant 7 : i32
      %shift_left3A_39 = arith.shli %shift_right_arithmetic3A_37, %shift_left3A_38 : i32
      %multiple_of3A_40 = tpu.assume_multiple %shift_left3A_39, 128 : i32
      %dma_start3A = arith.constant 0 : i32
      %dma_start3A_41 = tpu.memref_slice %arg12[%mul3A_26, %dma_start3A] : memref<384x128xf32, #tpu.memory_space<vmem>> -> memref<16x128xf32, #tpu.memory_space<vmem>>
      %dma_start3A_42 = arith.constant 0 : i32
      %dma_start3A_43 = tpu.memref_slice %arg4[%dma_start3A_42, %multiple_of3A] : memref<16x1000000xf32, #tpu.memory_space<hbm>> -> memref<16x128xf32, #tpu.memory_space<hbm>>
      %dma_start3A_44 = arith.constant 0 : i32
      %dma_start3A_45 = tpu.memref_slice %arg12[%mul3A_26, %dma_start3A_44] : memref<384x128xf32, #tpu.memory_space<vmem>> -> memref<16x128xf32, #tpu.memory_space<vmem>>
      %dma_start3A_46 = arith.constant 0 : i32
      %dma_start3A_47 = tpu.memref_slice %arg4[%dma_start3A_46, %multiple_of3A] : memref<16x1000000xf32, #tpu.memory_space<hbm>> -> memref<16x128xf32, #tpu.memory_space<hbm>>
      tpu.enqueue_dma source(%dma_start3A_47 : memref<16x128xf32, #tpu.memory_space<hbm>>) target(%dma_start3A_45 : memref<16x128xf32, #tpu.memory_space<vmem>>) target_semaphore(%arg18 : memref<!tpu.dma_semaphore, #tpu.memory_space<semaphore_mem>>)
      %add3A_48 = arith.constant 16 : i32
      %add3A_49 = arith.addi %mul3A_26, %add3A_48 : i32
      %dma_start3A_50 = arith.constant 0 : i32
      %dma_start3A_51 = tpu.memref_slice %arg12[%add3A_49, %dma_start3A_50] : memref<384x128xf32, #tpu.memory_space<vmem>> -> memref<32x128xf32, #tpu.memory_space<vmem>>
      %dma_start3A_52 = arith.constant 0 : i32
      %dma_start3A_53 = tpu.memref_slice %arg6[%dma_start3A_52, %multiple_of3A] : memref<32x1000000xf32, #tpu.memory_space<hbm>> -> memref<32x128xf32, #tpu.memory_space<hbm>>
      %dma_start3A_54 = arith.constant 0 : i32
      %dma_start3A_55 = tpu.memref_slice %arg12[%add3A_49, %dma_start3A_54] : memref<384x128xf32, #tpu.memory_space<vmem>> -> memref<32x128xf32, #tpu.memory_space<vmem>>
      %dma_start3A_56 = arith.constant 0 : i32
      %dma_start3A_57 = tpu.memref_slice %arg6[%dma_start3A_56, %multiple_of3A] : memref<32x1000000xf32, #tpu.memory_space<hbm>> -> memref<32x128xf32, #tpu.memory_space<hbm>>
      tpu.enqueue_dma source(%dma_start3A_57 : memref<32x128xf32, #tpu.memory_space<hbm>>) target(%dma_start3A_55 : memref<32x128xf32, #tpu.memory_space<vmem>>) target_semaphore(%arg18 : memref<!tpu.dma_semaphore, #tpu.memory_space<semaphore_mem>>)
      %add3A_58 = arith.constant 16 : i32
      %add3A_59 = arith.addi %mul3A_26, %add3A_58 : i32
      %add3A_60 = arith.constant 32 : i32
      %add3A_61 = arith.addi %add3A_59, %add3A_60 : i32
      %dma_start3A_62 = arith.constant 0 : i32
      %dma_start3A_63 = tpu.memref_slice %arg12[%add3A_61, %dma_start3A_62] : memref<384x128xf32, #tpu.memory_space<vmem>> -> memref<16x128xf32, #tpu.memory_space<vmem>>
      %dma_start3A_64 = arith.constant 0 : i32
      %dma_start3A_65 = tpu.memref_slice %arg5[%dma_start3A_64, %multiple_of3A_40] : memref<16x1000000xf32, #tpu.memory_space<hbm>> -> memref<16x128xf32, #tpu.memory_space<hbm>>
      %dma_start3A_66 = arith.constant 0 : i32
      %dma_start3A_67 = tpu.memref_slice %arg12[%add3A_61, %dma_start3A_66] : memref<384x128xf32, #tpu.memory_space<vmem>> -> memref<16x128xf32, #tpu.memory_space<vmem>>
      %dma_start3A_68 = arith.constant 0 : i32
      %dma_start3A_69 = tpu.memref_slice %arg5[%dma_start3A_68, %multiple_of3A_40] : memref<16x1000000xf32, #tpu.memory_space<hbm>> -> memref<16x128xf32, #tpu.memory_space<hbm>>
      tpu.enqueue_dma source(%dma_start3A_69 : memref<16x128xf32, #tpu.memory_space<hbm>>) target(%dma_start3A_67 : memref<16x128xf32, #tpu.memory_space<vmem>>) target_semaphore(%arg18 : memref<!tpu.dma_semaphore, #tpu.memory_space<semaphore_mem>>)
      %add3A_70 = arith.constant 32 : i32
      %add3A_71 = arith.addi %mul3A_26, %add3A_70 : i32
      %add3A_72 = arith.constant 32 : i32
      %add3A_73 = arith.addi %add3A_71, %add3A_72 : i32
      %dma_start3A_74 = arith.constant 0 : i32
      %dma_start3A_75 = tpu.memref_slice %arg12[%add3A_73, %dma_start3A_74] : memref<384x128xf32, #tpu.memory_space<vmem>> -> memref<32x128xf32, #tpu.memory_space<vmem>>
      %dma_start3A_76 = arith.constant 0 : i32
      %dma_start3A_77 = tpu.memref_slice %arg7[%dma_start3A_76, %multiple_of3A_40] : memref<32x1000000xf32, #tpu.memory_space<hbm>> -> memref<32x128xf32, #tpu.memory_space<hbm>>
      %dma_start3A_78 = arith.constant 0 : i32
      %dma_start3A_79 = tpu.memref_slice %arg12[%add3A_73, %dma_start3A_78] : memref<384x128xf32, #tpu.memory_space<vmem>> -> memref<32x128xf32, #tpu.memory_space<vmem>>
      %dma_start3A_80 = arith.constant 0 : i32
      %dma_start3A_81 = tpu.memref_slice %arg7[%dma_start3A_80, %multiple_of3A_40] : memref<32x1000000xf32, #tpu.memory_space<hbm>> -> memref<32x128xf32, #tpu.memory_space<hbm>>
      tpu.enqueue_dma source(%dma_start3A_81 : memref<32x128xf32, #tpu.memory_space<hbm>>) target(%dma_start3A_79 : memref<32x128xf32, #tpu.memory_space<vmem>>) target_semaphore(%arg18 : memref<!tpu.dma_semaphore, #tpu.memory_space<semaphore_mem>>)
    }
    %scan3A_11 = arith.constant 4 : i32
    %scan3A_12 = arith.constant 0 : i32
    %scan3A_13 = arith.constant 128 : i32
    %scan3A_14 = arith.addi %scan3A_12, %scan3A_13 : i32
    %scan3A_15 = arith.constant 1 : i32
    scf.for %scan3A_24 = %scan3A_12 to %scan3A_14 step %scan3A_15  : i32 {
      %jit3A = arith.constant 2 : i32
      %eq3A = arith.constant 0 : i32
      %eq3A_25 = arith.cmpi eq, %jit3A, %eq3A : i32
      %jit3A_26 = arith.constant 1 : i32
      %select_n3A = arith.select %eq3A_25, %jit3A_26, %jit3A : i32
      %rem3A = arith.remsi %scan3A_24, %select_n3A : i32
      %ne3A = arith.constant 0 : i32
      %ne3A_27 = arith.cmpi ne, %rem3A, %ne3A : i32
      %lt3A = arith.constant 0 : i32
      %lt3A_28 = arith.cmpi slt, %rem3A, %lt3A : i32
      %lt3A_29 = arith.constant 0 : i32
      %lt3A_30 = arith.cmpi slt, %select_n3A, %lt3A_29 : i32
      %ne3A_31 = arith.xori %lt3A_28, %lt3A_30 : i1
      %and3A = arith.andi %ne3A_31, %ne3A_27 : i1
      %add3A_32 = arith.addi %rem3A, %select_n3A : i32
      %select_n3A_33 = arith.select %and3A, %add3A_32, %rem3A : i32
      %eq3A_34 = arith.constant 0 : i32
      %eq3A_35 = arith.cmpi eq, %select_n3A_33, %eq3A_34 : i32
      %convert_element_type3A = arith.extui %eq3A_35 : i1 to i32
      %cond3A = arith.constant 0 : i32
      %cond3A_36 = arith.cmpi ne, %convert_element_type3A, %cond3A : i32
      scf.if %cond3A_36 {
        %add3A_58 = arith.constant 1 : i32
        %add3A_59 = arith.addi %scan3A_24, %add3A_58 : i32
        %lt3A_60 = arith.constant 128 : i32
        %lt3A_61 = arith.cmpi slt, %add3A_59, %lt3A_60 : i32
        %convert_element_type3A_62 = arith.extui %lt3A_61 : i1 to i32
        %cond3A_63 = arith.constant 0 : i32
        %cond3A_64 = arith.cmpi ne, %convert_element_type3A_62, %cond3A_63 : i32
        scf.if %cond3A_64 {
          %add3A_80 = arith.constant 1 : i32
          %add3A_81 = arith.addi %scan3A_24, %add3A_80 : i32
          %scan3A_82 = arith.constant 0 : i32
          %scan3A_83 = arith.constant 4 : i32
          %scan3A_84 = arith.addi %scan3A_82, %scan3A_83 : i32
          %scan3A_85 = arith.constant 1 : i32
          scf.for %scan3A_87 = %scan3A_82 to %scan3A_84 step %scan3A_85  : i32 {
            %mul3A_88 = arith.constant 96 : i32
            %mul3A_89 = arith.muli %scan3A_87, %mul3A_88 : i32
            %mul3A_90 = arith.constant 4 : i32
            %mul3A_91 = arith.muli %add3A_81, %mul3A_90 : i32
            %add3A_92 = arith.addi %mul3A_91, %scan3A_87 : i32
            %get3A = arith.index_cast %add3A_92 : i32 to index
            %get3A_93 = memref.load %arg10[%get3A] : memref<512xi32, #tpu.memory_space<smem>>
            %mul3A_94 = arith.constant 4 : i32
            %mul3A_95 = arith.muli %add3A_81, %mul3A_94 : i32
            %add3A_96 = arith.addi %mul3A_95, %scan3A_87 : i32
            %get3A_97 = arith.index_cast %add3A_96 : i32 to index
            %get3A_98 = memref.load %arg11[%get3A_97] : memref<512xi32, #tpu.memory_space<smem>>
            %shift_right_arithmetic3A = arith.constant 7 : i32
            %shift_right_arithmetic3A_99 = arith.shrsi %get3A_93, %shift_right_arithmetic3A : i32
            %shift_left3A = arith.constant 7 : i32
            %shift_left3A_100 = arith.shli %shift_right_arithmetic3A_99, %shift_left3A : i32
            %multiple_of3A = tpu.assume_multiple %shift_left3A_100, 128 : i32
            %shift_right_arithmetic3A_101 = arith.constant 7 : i32
            %shift_right_arithmetic3A_102 = arith.shrsi %get3A_98, %shift_right_arithmetic3A_101 : i32
            %shift_left3A_103 = arith.constant 7 : i32
            %shift_left3A_104 = arith.shli %shift_right_arithmetic3A_102, %shift_left3A_103 : i32
            %multiple_of3A_105 = tpu.assume_multiple %shift_left3A_104, 128 : i32
            %dma_start3A_106 = arith.constant 0 : i32
            %dma_start3A_107 = tpu.memref_slice %arg13[%mul3A_89, %dma_start3A_106] : memref<384x128xf32, #tpu.memory_space<vmem>> -> memref<16x128xf32, #tpu.memory_space<vmem>>
            %dma_start3A_108 = arith.constant 0 : i32
            %dma_start3A_109 = tpu.memref_slice %arg4[%dma_start3A_108, %multiple_of3A] : memref<16x1000000xf32, #tpu.memory_space<hbm>> -> memref<16x128xf32, #tpu.memory_space<hbm>>
            %dma_start3A_110 = arith.constant 0 : i32
            %dma_start3A_111 = tpu.memref_slice %arg13[%mul3A_89, %dma_start3A_110] : memref<384x128xf32, #tpu.memory_space<vmem>> -> memref<16x128xf32, #tpu.memory_space<vmem>>
            %dma_start3A_112 = arith.constant 0 : i32
            %dma_start3A_113 = tpu.memref_slice %arg4[%dma_start3A_112, %multiple_of3A] : memref<16x1000000xf32, #tpu.memory_space<hbm>> -> memref<16x128xf32, #tpu.memory_space<hbm>>
            tpu.enqueue_dma source(%dma_start3A_113 : memref<16x128xf32, #tpu.memory_space<hbm>>) target(%dma_start3A_111 : memref<16x128xf32, #tpu.memory_space<vmem>>) target_semaphore(%arg19 : memref<!tpu.dma_semaphore, #tpu.memory_space<semaphore_mem>>)
            %add3A_114 = arith.constant 16 : i32
            %add3A_115 = arith.addi %mul3A_89, %add3A_114 : i32
            %dma_start3A_116 = arith.constant 0 : i32
            %dma_start3A_117 = tpu.memref_slice %arg13[%add3A_115, %dma_start3A_116] : memref<384x128xf32, #tpu.memory_space<vmem>> -> memref<32x128xf32, #tpu.memory_space<vmem>>
            %dma_start3A_118 = arith.constant 0 : i32
            %dma_start3A_119 = tpu.memref_slice %arg6[%dma_start3A_118, %multiple_of3A] : memref<32x1000000xf32, #tpu.memory_space<hbm>> -> memref<32x128xf32, #tpu.memory_space<hbm>>
            %dma_start3A_120 = arith.constant 0 : i32
            %dma_start3A_121 = tpu.memref_slice %arg13[%add3A_115, %dma_start3A_120] : memref<384x128xf32, #tpu.memory_space<vmem>> -> memref<32x128xf32, #tpu.memory_space<vmem>>
            %dma_start3A_122 = arith.constant 0 : i32
            %dma_start3A_123 = tpu.memref_slice %arg6[%dma_start3A_122, %multiple_of3A] : memref<32x1000000xf32, #tpu.memory_space<hbm>> -> memref<32x128xf32, #tpu.memory_space<hbm>>
            tpu.enqueue_dma source(%dma_start3A_123 : memref<32x128xf32, #tpu.memory_space<hbm>>) target(%dma_start3A_121 : memref<32x128xf32, #tpu.memory_space<vmem>>) target_semaphore(%arg19 : memref<!tpu.dma_semaphore, #tpu.memory_space<semaphore_mem>>)
            %add3A_124 = arith.constant 16 : i32
            %add3A_125 = arith.addi %mul3A_89, %add3A_124 : i32
            %add3A_126 = arith.constant 32 : i32
            %add3A_127 = arith.addi %add3A_125, %add3A_126 : i32
            %dma_start3A_128 = arith.constant 0 : i32
            %dma_start3A_129 = tpu.memref_slice %arg13[%add3A_127, %dma_start3A_128] : memref<384x128xf32, #tpu.memory_space<vmem>> -> memref<16x128xf32, #tpu.memory_space<vmem>>
            %dma_start3A_130 = arith.constant 0 : i32
            %dma_start3A_131 = tpu.memref_slice %arg5[%dma_start3A_130, %multiple_of3A_105] : memref<16x1000000xf32, #tpu.memory_space<hbm>> -> memref<16x128xf32, #tpu.memory_space<hbm>>
            %dma_start3A_132 = arith.constant 0 : i32
            %dma_start3A_133 = tpu.memref_slice %arg13[%add3A_127, %dma_start3A_132] : memref<384x128xf32, #tpu.memory_space<vmem>> -> memref<16x128xf32, #tpu.memory_space<vmem>>
            %dma_start3A_134 = arith.constant 0 : i32
            %dma_start3A_135 = tpu.memref_slice %arg5[%dma_start3A_134, %multiple_of3A_105] : memref<16x1000000xf32, #tpu.memory_space<hbm>> -> memref<16x128xf32, #tpu.memory_space<hbm>>
            tpu.enqueue_dma source(%dma_start3A_135 : memref<16x128xf32, #tpu.memory_space<hbm>>) target(%dma_start3A_133 : memref<16x128xf32, #tpu.memory_space<vmem>>) target_semaphore(%arg19 : memref<!tpu.dma_semaphore, #tpu.memory_space<semaphore_mem>>)
            %add3A_136 = arith.constant 32 : i32
            %add3A_137 = arith.addi %mul3A_89, %add3A_136 : i32
            %add3A_138 = arith.constant 32 : i32
            %add3A_139 = arith.addi %add3A_137, %add3A_138 : i32
            %dma_start3A_140 = arith.constant 0 : i32
            %dma_start3A_141 = tpu.memref_slice %arg13[%add3A_139, %dma_start3A_140] : memref<384x128xf32, #tpu.memory_space<vmem>> -> memref<32x128xf32, #tpu.memory_space<vmem>>
            %dma_start3A_142 = arith.constant 0 : i32
            %dma_start3A_143 = tpu.memref_slice %arg7[%dma_start3A_142, %multiple_of3A_105] : memref<32x1000000xf32, #tpu.memory_space<hbm>> -> memref<32x128xf32, #tpu.memory_space<hbm>>
            %dma_start3A_144 = arith.constant 0 : i32
            %dma_start3A_145 = tpu.memref_slice %arg13[%add3A_139, %dma_start3A_144] : memref<384x128xf32, #tpu.memory_space<vmem>> -> memref<32x128xf32, #tpu.memory_space<vmem>>
            %dma_start3A_146 = arith.constant 0 : i32
            %dma_start3A_147 = tpu.memref_slice %arg7[%dma_start3A_146, %multiple_of3A_105] : memref<32x1000000xf32, #tpu.memory_space<hbm>> -> memref<32x128xf32, #tpu.memory_space<hbm>>
            tpu.enqueue_dma source(%dma_start3A_147 : memref<32x128xf32, #tpu.memory_space<hbm>>) target(%dma_start3A_145 : memref<32x128xf32, #tpu.memory_space<vmem>>) target_semaphore(%arg19 : memref<!tpu.dma_semaphore, #tpu.memory_space<semaphore_mem>>)
          }
          %scan3A_86 = arith.constant 4 : i32
        } else {
        }
        tpu.wait_dma2 semaphore(%arg18 : memref<!tpu.dma_semaphore, #tpu.memory_space<semaphore_mem>>) src(%arg8 : memref<384x128xf32, #tpu.memory_space<hbm>>) dst(%arg12 : memref<384x128xf32, #tpu.memory_space<vmem>>)
        %ge3A = arith.constant 2 : i32
        %ge3A_65 = arith.cmpi sge, %scan3A_24, %ge3A : i32
        %convert_element_type3A_66 = arith.extui %ge3A_65 : i1 to i32
        %cond3A_67 = arith.constant 0 : i32
        %cond3A_68 = arith.cmpi ne, %convert_element_type3A_66, %cond3A_67 : i32
        scf.if %cond3A_68 {
          %dma_wait3A_80 = arith.constant 0 : i32
          %dma_wait3A_81 = tpu.memref_slice %arg9[%dma_wait3A_80] : memref<1310720xf32, #tpu.memory_space<hbm>> -> memref<320xf32, #tpu.memory_space<hbm>>
          %dma_wait3A_82 = arith.constant 0 : i32
          %dma_wait3A_83 = tpu.memref_slice %arg9[%dma_wait3A_82] : memref<1310720xf32, #tpu.memory_space<hbm>> -> memref<320xf32, #tpu.memory_space<hbm>>
          tpu.wait_dma2 semaphore(%arg20 : memref<!tpu.dma_semaphore, #tpu.memory_space<semaphore_mem>>) src(%dma_wait3A_83 : memref<320xf32, #tpu.memory_space<hbm>>) dst(%arg16 : memref<320xf32, #tpu.memory_space<vmem>>)
        } else {
        }
        %scan3A_69 = arith.constant 0 : i32
        %scan3A_70 = arith.constant 4 : i32
        %scan3A_71 = arith.addi %scan3A_69, %scan3A_70 : i32
        %scan3A_72 = arith.constant 1 : i32
        scf.for %scan3A_80 = %scan3A_69 to %scan3A_71 step %scan3A_72  : i32 {
          %mul3A_81 = arith.constant 96 : i32
          %mul3A_82 = arith.muli %scan3A_80, %mul3A_81 : i32
          %mul3A_83 = arith.constant 4 : i32
          %mul3A_84 = arith.muli %scan3A_24, %mul3A_83 : i32
          %add3A_85 = arith.addi %mul3A_84, %scan3A_80 : i32
          %get3A = arith.index_cast %add3A_85 : i32 to index
          %get3A_86 = memref.load %arg10[%get3A] : memref<512xi32, #tpu.memory_space<smem>>
          %and3A_87 = arith.constant 127 : i32
          %and3A_88 = arith.andi %get3A_86, %and3A_87 : i32
          %broadcast_in_dim3A = vector.broadcast %and3A_88 : i32 to vector<16xi32>
          %mul3A_89 = arith.constant 4 : i32
          %mul3A_90 = arith.muli %scan3A_24, %mul3A_89 : i32
          %add3A_91 = arith.addi %mul3A_90, %scan3A_80 : i32
          %get3A_92 = arith.index_cast %add3A_91 : i32 to index
          %get3A_93 = memref.load %arg11[%get3A_92] : memref<512xi32, #tpu.memory_space<smem>>
          %and3A_94 = arith.constant 127 : i32
          %and3A_95 = arith.andi %get3A_93, %and3A_94 : i32
          %broadcast_in_dim3A_96 = vector.broadcast %and3A_95 : i32 to vector<16xi32>
          %add3A_97 = vector.broadcast %mul3A_82 : i32 to vector<16xi32>
          %add3A_98 = arith.addi %add3A_97, %iota3A : vector<16xi32>
          %gather3A = tpu.vector_load_idx %arg12[%add3A_98, %broadcast_in_dim3A] : memref<384x128xf32, #tpu.memory_space<vmem>>[vector<16xi32>, vector<16xi32>], vector<16xf32>,
          %add3A_99 = arith.constant 16 : i32
          %add3A_100 = arith.addi %mul3A_82, %add3A_99 : i32
          %add3A_101 = arith.constant 32 : i32
          %add3A_102 = arith.addi %add3A_100, %add3A_101 : i32
          %add3A_103 = vector.broadcast %add3A_102 : i32 to vector<16xi32>
          %add3A_104 = arith.addi %add3A_103, %iota3A : vector<16xi32>
          %gather3A_105 = tpu.vector_load_idx %arg12[%add3A_104, %broadcast_in_dim3A_96] : memref<384x128xf32, #tpu.memory_space<vmem>>[vector<16xi32>, vector<16xi32>], vector<16xf32>,
          %add3A_106 = arith.constant 16 : i32
          %add3A_107 = arith.addi %mul3A_82, %add3A_106 : i32
          %add3A_108 = vector.broadcast %add3A_107 : i32 to vector<16xi32>
          %add3A_109 = arith.addi %add3A_108, %iota3A : vector<16xi32>
          %gather3A_110 = tpu.vector_load_idx %arg12[%add3A_109, %broadcast_in_dim3A] : memref<384x128xf32, #tpu.memory_space<vmem>>[vector<16xi32>, vector<16xi32>], vector<16xf32>,
          %add3A_111 = arith.constant 16 : i32
          %add3A_112 = arith.addi %mul3A_82, %add3A_111 : i32
          %add3A_113 = arith.constant 16 : i32
          %add3A_114 = arith.addi %add3A_112, %add3A_113 : i32
          %add3A_115 = vector.broadcast %add3A_114 : i32 to vector<16xi32>
          %add3A_116 = arith.addi %add3A_115, %iota3A : vector<16xi32>
          %gather3A_117 = tpu.vector_load_idx %arg12[%add3A_116, %broadcast_in_dim3A] : memref<384x128xf32, #tpu.memory_space<vmem>>[vector<16xi32>, vector<16xi32>], vector<16xf32>,
          %add3A_118 = arith.constant 32 : i32
          %add3A_119 = arith.addi %mul3A_82, %add3A_118 : i32
          %add3A_120 = arith.constant 32 : i32
          %add3A_121 = arith.addi %add3A_119, %add3A_120 : i32
          %add3A_122 = vector.broadcast %add3A_121 : i32 to vector<16xi32>
          %add3A_123 = arith.addi %add3A_122, %iota3A : vector<16xi32>
          %gather3A_124 = tpu.vector_load_idx %arg12[%add3A_123, %broadcast_in_dim3A_96] : memref<384x128xf32, #tpu.memory_space<vmem>>[vector<16xi32>, vector<16xi32>], vector<16xf32>,
          %add3A_125 = arith.constant 32 : i32
          %add3A_126 = arith.addi %mul3A_82, %add3A_125 : i32
          %add3A_127 = arith.constant 32 : i32
          %add3A_128 = arith.addi %add3A_126, %add3A_127 : i32
          %add3A_129 = arith.constant 16 : i32
          %add3A_130 = arith.addi %add3A_128, %add3A_129 : i32
          %add3A_131 = vector.broadcast %add3A_130 : i32 to vector<16xi32>
          %add3A_132 = arith.addi %add3A_131, %iota3A : vector<16xi32>
          %gather3A_133 = tpu.vector_load_idx %arg12[%add3A_132, %broadcast_in_dim3A_96] : memref<384x128xf32, #tpu.memory_space<vmem>>[vector<16xi32>, vector<16xi32>], vector<16xf32>,
          %mul3A_134 = arith.constant 80 : i32
          %mul3A_135 = arith.muli %scan3A_80, %mul3A_134 : i32
          %mul3A_136 = arith.mulf %gather3A, %gather3A_105 : vector<16xf32>
          %swap3A = arith.index_cast %mul3A_135 : i32 to index
          %swap3A_137 = tpu.vector_load %arg16[%swap3A] {strides = array<i32>} : memref<320xf32, #tpu.memory_space<vmem>>, vector<16xf32>,
          tpu.vector_store %arg16[%swap3A], %mul3A_136 {strides = array<i32>} : memref<320xf32, #tpu.memory_space<vmem>>, vector<16xf32>,
          %add3A_138 = arith.constant 16 : i32
          %add3A_139 = arith.addi %mul3A_135, %add3A_138 : i32
          %swap3A_140 = arith.index_cast %add3A_139 : i32 to index
          %swap3A_141 = tpu.vector_load %arg16[%swap3A_140] {strides = array<i32>} : memref<320xf32, #tpu.memory_space<vmem>>, vector<16xf32>,
          tpu.vector_store %arg16[%swap3A_140], %gather3A_110 {strides = array<i32>} : memref<320xf32, #tpu.memory_space<vmem>>, vector<16xf32>,
          %add3A_142 = arith.constant 16 : i32
          %add3A_143 = arith.addi %mul3A_135, %add3A_142 : i32
          %add3A_144 = arith.constant 16 : i32
          %add3A_145 = arith.addi %add3A_143, %add3A_144 : i32
          %swap3A_146 = arith.index_cast %add3A_145 : i32 to index
          %swap3A_147 = tpu.vector_load %arg16[%swap3A_146] {strides = array<i32>} : memref<320xf32, #tpu.memory_space<vmem>>, vector<16xf32>,
          tpu.vector_store %arg16[%swap3A_146], %gather3A_117 {strides = array<i32>} : memref<320xf32, #tpu.memory_space<vmem>>, vector<16xf32>,
          %add3A_148 = arith.constant 16 : i32
          %add3A_149 = arith.addi %mul3A_135, %add3A_148 : i32
          %add3A_150 = arith.constant 32 : i32
          %add3A_151 = arith.addi %add3A_149, %add3A_150 : i32
          %swap3A_152 = arith.index_cast %add3A_151 : i32 to index
          %swap3A_153 = tpu.vector_load %arg16[%swap3A_152] {strides = array<i32>} : memref<320xf32, #tpu.memory_space<vmem>>, vector<16xf32>,
          tpu.vector_store %arg16[%swap3A_152], %gather3A_124 {strides = array<i32>} : memref<320xf32, #tpu.memory_space<vmem>>, vector<16xf32>,
          %add3A_154 = arith.constant 16 : i32
          %add3A_155 = arith.addi %mul3A_135, %add3A_154 : i32
          %add3A_156 = arith.constant 32 : i32
          %add3A_157 = arith.addi %add3A_155, %add3A_156 : i32
          %add3A_158 = arith.constant 16 : i32
          %add3A_159 = arith.addi %add3A_157, %add3A_158 : i32
          %swap3A_160 = arith.index_cast %add3A_159 : i32 to index
          %swap3A_161 = tpu.vector_load %arg16[%swap3A_160] {strides = array<i32>} : memref<320xf32, #tpu.memory_space<vmem>>, vector<16xf32>,
          tpu.vector_store %arg16[%swap3A_160], %gather3A_133 {strides = array<i32>} : memref<320xf32, #tpu.memory_space<vmem>>, vector<16xf32>,
        }
        %scan3A_73 = arith.constant 4 : i32
        %mul3A_74 = arith.constant 4 : i32
        %mul3A_75 = arith.muli %scan3A_24, %mul3A_74 : i32
        %add3A_76 = arith.addi %mul3A_2, %mul3A_75 : i32
        %mul3A_77 = arith.constant 80 : i32
        %mul3A_78 = arith.muli %add3A_76, %mul3A_77 : i32
        %dma_start3A = tpu.memref_slice %arg9[%mul3A_78] : memref<1310720xf32, #tpu.memory_space<hbm>> -> memref<320xf32, #tpu.memory_space<hbm>>
        %dma_start3A_79 = tpu.memref_slice %arg9[%mul3A_78] : memref<1310720xf32, #tpu.memory_space<hbm>> -> memref<320xf32, #tpu.memory_space<hbm>>
        tpu.enqueue_dma source(%arg16 : memref<320xf32, #tpu.memory_space<vmem>>) target(%dma_start3A_79 : memref<320xf32, #tpu.memory_space<hbm>>) target_semaphore(%arg20 : memref<!tpu.dma_semaphore, #tpu.memory_space<semaphore_mem>>)
      } else {
      }
      %jit3A_37 = arith.constant 2 : i32
      %eq3A_38 = arith.constant 0 : i32
      %eq3A_39 = arith.cmpi eq, %jit3A_37, %eq3A_38 : i32
      %jit3A_40 = arith.constant 1 : i32
      %select_n3A_41 = arith.select %eq3A_39, %jit3A_40, %jit3A_37 : i32
      %rem3A_42 = arith.remsi %scan3A_24, %select_n3A_41 : i32
      %ne3A_43 = arith.constant 0 : i32
      %ne3A_44 = arith.cmpi ne, %rem3A_42, %ne3A_43 : i32
      %lt3A_45 = arith.constant 0 : i32
      %lt3A_46 = arith.cmpi slt, %rem3A_42, %lt3A_45 : i32
      %lt3A_47 = arith.constant 0 : i32
      %lt3A_48 = arith.cmpi slt, %select_n3A_41, %lt3A_47 : i32
      %ne3A_49 = arith.xori %lt3A_46, %lt3A_48 : i1
      %and3A_50 = arith.andi %ne3A_49, %ne3A_44 : i1
      %add3A_51 = arith.addi %rem3A_42, %select_n3A_41 : i32
      %select_n3A_52 = arith.select %and3A_50, %add3A_51, %rem3A_42 : i32
      %eq3A_53 = arith.constant 1 : i32
      %eq3A_54 = arith.cmpi eq, %select_n3A_52, %eq3A_53 : i32
      %convert_element_type3A_55 = arith.extui %eq3A_54 : i1 to i32
      %cond3A_56 = arith.constant 0 : i32
      %cond3A_57 = arith.cmpi ne, %convert_element_type3A_55, %cond3A_56 : i32
      scf.if %cond3A_57 {
        %add3A_58 = arith.constant 1 : i32
        %add3A_59 = arith.addi %scan3A_24, %add3A_58 : i32
        %lt3A_60 = arith.constant 128 : i32
        %lt3A_61 = arith.cmpi slt, %add3A_59, %lt3A_60 : i32
        %convert_element_type3A_62 = arith.extui %lt3A_61 : i1 to i32
        %cond3A_63 = arith.constant 0 : i32
        %cond3A_64 = arith.cmpi ne, %convert_element_type3A_62, %cond3A_63 : i32
        scf.if %cond3A_64 {
          %add3A_80 = arith.constant 1 : i32
          %add3A_81 = arith.addi %scan3A_24, %add3A_80 : i32
          %scan3A_82 = arith.constant 0 : i32
          %scan3A_83 = arith.constant 4 : i32
          %scan3A_84 = arith.addi %scan3A_82, %scan3A_83 : i32
          %scan3A_85 = arith.constant 1 : i32
          scf.for %scan3A_87 = %scan3A_82 to %scan3A_84 step %scan3A_85  : i32 {
            %mul3A_88 = arith.constant 96 : i32
            %mul3A_89 = arith.muli %scan3A_87, %mul3A_88 : i32
            %mul3A_90 = arith.constant 4 : i32
            %mul3A_91 = arith.muli %add3A_81, %mul3A_90 : i32
            %add3A_92 = arith.addi %mul3A_91, %scan3A_87 : i32
            %get3A = arith.index_cast %add3A_92 : i32 to index
            %get3A_93 = memref.load %arg10[%get3A] : memref<512xi32, #tpu.memory_space<smem>>
            %mul3A_94 = arith.constant 4 : i32
            %mul3A_95 = arith.muli %add3A_81, %mul3A_94 : i32
            %add3A_96 = arith.addi %mul3A_95, %scan3A_87 : i32
            %get3A_97 = arith.index_cast %add3A_96 : i32 to index
            %get3A_98 = memref.load %arg11[%get3A_97] : memref<512xi32, #tpu.memory_space<smem>>
            %shift_right_arithmetic3A = arith.constant 7 : i32
            %shift_right_arithmetic3A_99 = arith.shrsi %get3A_93, %shift_right_arithmetic3A : i32
            %shift_left3A = arith.constant 7 : i32
            %shift_left3A_100 = arith.shli %shift_right_arithmetic3A_99, %shift_left3A : i32
            %multiple_of3A = tpu.assume_multiple %shift_left3A_100, 128 : i32
            %shift_right_arithmetic3A_101 = arith.constant 7 : i32
            %shift_right_arithmetic3A_102 = arith.shrsi %get3A_98, %shift_right_arithmetic3A_101 : i32
            %shift_left3A_103 = arith.constant 7 : i32
            %shift_left3A_104 = arith.shli %shift_right_arithmetic3A_102, %shift_left3A_103 : i32
            %multiple_of3A_105 = tpu.assume_multiple %shift_left3A_104, 128 : i32
            %dma_start3A_106 = arith.constant 0 : i32
            %dma_start3A_107 = tpu.memref_slice %arg12[%mul3A_89, %dma_start3A_106] : memref<384x128xf32, #tpu.memory_space<vmem>> -> memref<16x128xf32, #tpu.memory_space<vmem>>
            %dma_start3A_108 = arith.constant 0 : i32
            %dma_start3A_109 = tpu.memref_slice %arg4[%dma_start3A_108, %multiple_of3A] : memref<16x1000000xf32, #tpu.memory_space<hbm>> -> memref<16x128xf32, #tpu.memory_space<hbm>>
            %dma_start3A_110 = arith.constant 0 : i32
            %dma_start3A_111 = tpu.memref_slice %arg12[%mul3A_89, %dma_start3A_110] : memref<384x128xf32, #tpu.memory_space<vmem>> -> memref<16x128xf32, #tpu.memory_space<vmem>>
            %dma_start3A_112 = arith.constant 0 : i32
            %dma_start3A_113 = tpu.memref_slice %arg4[%dma_start3A_112, %multiple_of3A] : memref<16x1000000xf32, #tpu.memory_space<hbm>> -> memref<16x128xf32, #tpu.memory_space<hbm>>
            tpu.enqueue_dma source(%dma_start3A_113 : memref<16x128xf32, #tpu.memory_space<hbm>>) target(%dma_start3A_111 : memref<16x128xf32, #tpu.memory_space<vmem>>) target_semaphore(%arg18 : memref<!tpu.dma_semaphore, #tpu.memory_space<semaphore_mem>>)
            %add3A_114 = arith.constant 16 : i32
            %add3A_115 = arith.addi %mul3A_89, %add3A_114 : i32
            %dma_start3A_116 = arith.constant 0 : i32
            %dma_start3A_117 = tpu.memref_slice %arg12[%add3A_115, %dma_start3A_116] : memref<384x128xf32, #tpu.memory_space<vmem>> -> memref<32x128xf32, #tpu.memory_space<vmem>>
            %dma_start3A_118 = arith.constant 0 : i32
            %dma_start3A_119 = tpu.memref_slice %arg6[%dma_start3A_118, %multiple_of3A] : memref<32x1000000xf32, #tpu.memory_space<hbm>> -> memref<32x128xf32, #tpu.memory_space<hbm>>
            %dma_start3A_120 = arith.constant 0 : i32
            %dma_start3A_121 = tpu.memref_slice %arg12[%add3A_115, %dma_start3A_120] : memref<384x128xf32, #tpu.memory_space<vmem>> -> memref<32x128xf32, #tpu.memory_space<vmem>>
            %dma_start3A_122 = arith.constant 0 : i32
            %dma_start3A_123 = tpu.memref_slice %arg6[%dma_start3A_122, %multiple_of3A] : memref<32x1000000xf32, #tpu.memory_space<hbm>> -> memref<32x128xf32, #tpu.memory_space<hbm>>
            tpu.enqueue_dma source(%dma_start3A_123 : memref<32x128xf32, #tpu.memory_space<hbm>>) target(%dma_start3A_121 : memref<32x128xf32, #tpu.memory_space<vmem>>) target_semaphore(%arg18 : memref<!tpu.dma_semaphore, #tpu.memory_space<semaphore_mem>>)
            %add3A_124 = arith.constant 16 : i32
            %add3A_125 = arith.addi %mul3A_89, %add3A_124 : i32
            %add3A_126 = arith.constant 32 : i32
            %add3A_127 = arith.addi %add3A_125, %add3A_126 : i32
            %dma_start3A_128 = arith.constant 0 : i32
            %dma_start3A_129 = tpu.memref_slice %arg12[%add3A_127, %dma_start3A_128] : memref<384x128xf32, #tpu.memory_space<vmem>> -> memref<16x128xf32, #tpu.memory_space<vmem>>
            %dma_start3A_130 = arith.constant 0 : i32
            %dma_start3A_131 = tpu.memref_slice %arg5[%dma_start3A_130, %multiple_of3A_105] : memref<16x1000000xf32, #tpu.memory_space<hbm>> -> memref<16x128xf32, #tpu.memory_space<hbm>>
            %dma_start3A_132 = arith.constant 0 : i32
            %dma_start3A_133 = tpu.memref_slice %arg12[%add3A_127, %dma_start3A_132] : memref<384x128xf32, #tpu.memory_space<vmem>> -> memref<16x128xf32, #tpu.memory_space<vmem>>
            %dma_start3A_134 = arith.constant 0 : i32
            %dma_start3A_135 = tpu.memref_slice %arg5[%dma_start3A_134, %multiple_of3A_105] : memref<16x1000000xf32, #tpu.memory_space<hbm>> -> memref<16x128xf32, #tpu.memory_space<hbm>>
            tpu.enqueue_dma source(%dma_start3A_135 : memref<16x128xf32, #tpu.memory_space<hbm>>) target(%dma_start3A_133 : memref<16x128xf32, #tpu.memory_space<vmem>>) target_semaphore(%arg18 : memref<!tpu.dma_semaphore, #tpu.memory_space<semaphore_mem>>)
            %add3A_136 = arith.constant 32 : i32
            %add3A_137 = arith.addi %mul3A_89, %add3A_136 : i32
            %add3A_138 = arith.constant 32 : i32
            %add3A_139 = arith.addi %add3A_137, %add3A_138 : i32
            %dma_start3A_140 = arith.constant 0 : i32
            %dma_start3A_141 = tpu.memref_slice %arg12[%add3A_139, %dma_start3A_140] : memref<384x128xf32, #tpu.memory_space<vmem>> -> memref<32x128xf32, #tpu.memory_space<vmem>>
            %dma_start3A_142 = arith.constant 0 : i32
            %dma_start3A_143 = tpu.memref_slice %arg7[%dma_start3A_142, %multiple_of3A_105] : memref<32x1000000xf32, #tpu.memory_space<hbm>> -> memref<32x128xf32, #tpu.memory_space<hbm>>
            %dma_start3A_144 = arith.constant 0 : i32
            %dma_start3A_145 = tpu.memref_slice %arg12[%add3A_139, %dma_start3A_144] : memref<384x128xf32, #tpu.memory_space<vmem>> -> memref<32x128xf32, #tpu.memory_space<vmem>>
            %dma_start3A_146 = arith.constant 0 : i32
            %dma_start3A_147 = tpu.memref_slice %arg7[%dma_start3A_146, %multiple_of3A_105] : memref<32x1000000xf32, #tpu.memory_space<hbm>> -> memref<32x128xf32, #tpu.memory_space<hbm>>
            tpu.enqueue_dma source(%dma_start3A_147 : memref<32x128xf32, #tpu.memory_space<hbm>>) target(%dma_start3A_145 : memref<32x128xf32, #tpu.memory_space<vmem>>) target_semaphore(%arg18 : memref<!tpu.dma_semaphore, #tpu.memory_space<semaphore_mem>>)
          }
          %scan3A_86 = arith.constant 4 : i32
        } else {
        }
        tpu.wait_dma2 semaphore(%arg19 : memref<!tpu.dma_semaphore, #tpu.memory_space<semaphore_mem>>) src(%arg8 : memref<384x128xf32, #tpu.memory_space<hbm>>) dst(%arg13 : memref<384x128xf32, #tpu.memory_space<vmem>>)
        %ge3A = arith.constant 2 : i32
        %ge3A_65 = arith.cmpi sge, %scan3A_24, %ge3A : i32
        %convert_element_type3A_66 = arith.extui %ge3A_65 : i1 to i32
        %cond3A_67 = arith.constant 0 : i32
        %cond3A_68 = arith.cmpi ne, %convert_element_type3A_66, %cond3A_67 : i32
        scf.if %cond3A_68 {
          %dma_wait3A_80 = arith.constant 0 : i32
          %dma_wait3A_81 = tpu.memref_slice %arg9[%dma_wait3A_80] : memref<1310720xf32, #tpu.memory_space<hbm>> -> memref<320xf32, #tpu.memory_space<hbm>>
          %dma_wait3A_82 = arith.constant 0 : i32
          %dma_wait3A_83 = tpu.memref_slice %arg9[%dma_wait3A_82] : memref<1310720xf32, #tpu.memory_space<hbm>> -> memref<320xf32, #tpu.memory_space<hbm>>
          tpu.wait_dma2 semaphore(%arg21 : memref<!tpu.dma_semaphore, #tpu.memory_space<semaphore_mem>>) src(%dma_wait3A_83 : memref<320xf32, #tpu.memory_space<hbm>>) dst(%arg17 : memref<320xf32, #tpu.memory_space<vmem>>)
        } else {
        }
        %scan3A_69 = arith.constant 0 : i32
        %scan3A_70 = arith.constant 4 : i32
        %scan3A_71 = arith.addi %scan3A_69, %scan3A_70 : i32
        %scan3A_72 = arith.constant 1 : i32
        scf.for %scan3A_80 = %scan3A_69 to %scan3A_71 step %scan3A_72  : i32 {
          %mul3A_81 = arith.constant 96 : i32
          %mul3A_82 = arith.muli %scan3A_80, %mul3A_81 : i32
          %mul3A_83 = arith.constant 4 : i32
          %mul3A_84 = arith.muli %scan3A_24, %mul3A_83 : i32
          %add3A_85 = arith.addi %mul3A_84, %scan3A_80 : i32
          %get3A = arith.index_cast %add3A_85 : i32 to index
          %get3A_86 = memref.load %arg10[%get3A] : memref<512xi32, #tpu.memory_space<smem>>
          %and3A_87 = arith.constant 127 : i32
          %and3A_88 = arith.andi %get3A_86, %and3A_87 : i32
          %broadcast_in_dim3A = vector.broadcast %and3A_88 : i32 to vector<16xi32>
          %mul3A_89 = arith.constant 4 : i32
          %mul3A_90 = arith.muli %scan3A_24, %mul3A_89 : i32
          %add3A_91 = arith.addi %mul3A_90, %scan3A_80 : i32
          %get3A_92 = arith.index_cast %add3A_91 : i32 to index
          %get3A_93 = memref.load %arg11[%get3A_92] : memref<512xi32, #tpu.memory_space<smem>>
          %and3A_94 = arith.constant 127 : i32
          %and3A_95 = arith.andi %get3A_93, %and3A_94 : i32
          %broadcast_in_dim3A_96 = vector.broadcast %and3A_95 : i32 to vector<16xi32>
          %add3A_97 = vector.broadcast %mul3A_82 : i32 to vector<16xi32>
          %add3A_98 = arith.addi %add3A_97, %iota3A : vector<16xi32>
          %gather3A = tpu.vector_load_idx %arg13[%add3A_98, %broadcast_in_dim3A] : memref<384x128xf32, #tpu.memory_space<vmem>>[vector<16xi32>, vector<16xi32>], vector<16xf32>,
          %add3A_99 = arith.constant 16 : i32
          %add3A_100 = arith.addi %mul3A_82, %add3A_99 : i32
          %add3A_101 = arith.constant 32 : i32
          %add3A_102 = arith.addi %add3A_100, %add3A_101 : i32
          %add3A_103 = vector.broadcast %add3A_102 : i32 to vector<16xi32>
          %add3A_104 = arith.addi %add3A_103, %iota3A : vector<16xi32>
          %gather3A_105 = tpu.vector_load_idx %arg13[%add3A_104, %broadcast_in_dim3A_96] : memref<384x128xf32, #tpu.memory_space<vmem>>[vector<16xi32>, vector<16xi32>], vector<16xf32>,
          %add3A_106 = arith.constant 16 : i32
          %add3A_107 = arith.addi %mul3A_82, %add3A_106 : i32
          %add3A_108 = vector.broadcast %add3A_107 : i32 to vector<16xi32>
          %add3A_109 = arith.addi %add3A_108, %iota3A : vector<16xi32>
          %gather3A_110 = tpu.vector_load_idx %arg13[%add3A_109, %broadcast_in_dim3A] : memref<384x128xf32, #tpu.memory_space<vmem>>[vector<16xi32>, vector<16xi32>], vector<16xf32>,
          %add3A_111 = arith.constant 16 : i32
          %add3A_112 = arith.addi %mul3A_82, %add3A_111 : i32
          %add3A_113 = arith.constant 16 : i32
          %add3A_114 = arith.addi %add3A_112, %add3A_113 : i32
          %add3A_115 = vector.broadcast %add3A_114 : i32 to vector<16xi32>
          %add3A_116 = arith.addi %add3A_115, %iota3A : vector<16xi32>
          %gather3A_117 = tpu.vector_load_idx %arg13[%add3A_116, %broadcast_in_dim3A] : memref<384x128xf32, #tpu.memory_space<vmem>>[vector<16xi32>, vector<16xi32>], vector<16xf32>,
          %add3A_118 = arith.constant 32 : i32
          %add3A_119 = arith.addi %mul3A_82, %add3A_118 : i32
          %add3A_120 = arith.constant 32 : i32
          %add3A_121 = arith.addi %add3A_119, %add3A_120 : i32
          %add3A_122 = vector.broadcast %add3A_121 : i32 to vector<16xi32>
          %add3A_123 = arith.addi %add3A_122, %iota3A : vector<16xi32>
          %gather3A_124 = tpu.vector_load_idx %arg13[%add3A_123, %broadcast_in_dim3A_96] : memref<384x128xf32, #tpu.memory_space<vmem>>[vector<16xi32>, vector<16xi32>], vector<16xf32>,
          %add3A_125 = arith.constant 32 : i32
          %add3A_126 = arith.addi %mul3A_82, %add3A_125 : i32
          %add3A_127 = arith.constant 32 : i32
          %add3A_128 = arith.addi %add3A_126, %add3A_127 : i32
          %add3A_129 = arith.constant 16 : i32
          %add3A_130 = arith.addi %add3A_128, %add3A_129 : i32
          %add3A_131 = vector.broadcast %add3A_130 : i32 to vector<16xi32>
          %add3A_132 = arith.addi %add3A_131, %iota3A : vector<16xi32>
          %gather3A_133 = tpu.vector_load_idx %arg13[%add3A_132, %broadcast_in_dim3A_96] : memref<384x128xf32, #tpu.memory_space<vmem>>[vector<16xi32>, vector<16xi32>], vector<16xf32>,
          %mul3A_134 = arith.constant 80 : i32
          %mul3A_135 = arith.muli %scan3A_80, %mul3A_134 : i32
          %mul3A_136 = arith.mulf %gather3A, %gather3A_105 : vector<16xf32>
          %swap3A = arith.index_cast %mul3A_135 : i32 to index
          %swap3A_137 = tpu.vector_load %arg17[%swap3A] {strides = array<i32>} : memref<320xf32, #tpu.memory_space<vmem>>, vector<16xf32>,
          tpu.vector_store %arg17[%swap3A], %mul3A_136 {strides = array<i32>} : memref<320xf32, #tpu.memory_space<vmem>>, vector<16xf32>,
          %add3A_138 = arith.constant 16 : i32
          %add3A_139 = arith.addi %mul3A_135, %add3A_138 : i32
          %swap3A_140 = arith.index_cast %add3A_139 : i32 to index
          %swap3A_141 = tpu.vector_load %arg17[%swap3A_140] {strides = array<i32>} : memref<320xf32, #tpu.memory_space<vmem>>, vector<16xf32>,
          tpu.vector_store %arg17[%swap3A_140], %gather3A_110 {strides = array<i32>} : memref<320xf32, #tpu.memory_space<vmem>>, vector<16xf32>,
          %add3A_142 = arith.constant 16 : i32
          %add3A_143 = arith.addi %mul3A_135, %add3A_142 : i32
          %add3A_144 = arith.constant 16 : i32
          %add3A_145 = arith.addi %add3A_143, %add3A_144 : i32
          %swap3A_146 = arith.index_cast %add3A_145 : i32 to index
          %swap3A_147 = tpu.vector_load %arg17[%swap3A_146] {strides = array<i32>} : memref<320xf32, #tpu.memory_space<vmem>>, vector<16xf32>,
          tpu.vector_store %arg17[%swap3A_146], %gather3A_117 {strides = array<i32>} : memref<320xf32, #tpu.memory_space<vmem>>, vector<16xf32>,
          %add3A_148 = arith.constant 16 : i32
          %add3A_149 = arith.addi %mul3A_135, %add3A_148 : i32
          %add3A_150 = arith.constant 32 : i32
          %add3A_151 = arith.addi %add3A_149, %add3A_150 : i32
          %swap3A_152 = arith.index_cast %add3A_151 : i32 to index
          %swap3A_153 = tpu.vector_load %arg17[%swap3A_152] {strides = array<i32>} : memref<320xf32, #tpu.memory_space<vmem>>, vector<16xf32>,
          tpu.vector_store %arg17[%swap3A_152], %gather3A_124 {strides = array<i32>} : memref<320xf32, #tpu.memory_space<vmem>>, vector<16xf32>,
          %add3A_154 = arith.constant 16 : i32
          %add3A_155 = arith.addi %mul3A_135, %add3A_154 : i32
          %add3A_156 = arith.constant 32 : i32
          %add3A_157 = arith.addi %add3A_155, %add3A_156 : i32
          %add3A_158 = arith.constant 16 : i32
          %add3A_159 = arith.addi %add3A_157, %add3A_158 : i32
          %swap3A_160 = arith.index_cast %add3A_159 : i32 to index
          %swap3A_161 = tpu.vector_load %arg17[%swap3A_160] {strides = array<i32>} : memref<320xf32, #tpu.memory_space<vmem>>, vector<16xf32>,
          tpu.vector_store %arg17[%swap3A_160], %gather3A_133 {strides = array<i32>} : memref<320xf32, #tpu.memory_space<vmem>>, vector<16xf32>,
        }
        %scan3A_73 = arith.constant 4 : i32
        %mul3A_74 = arith.constant 4 : i32
        %mul3A_75 = arith.muli %scan3A_24, %mul3A_74 : i32
        %add3A_76 = arith.addi %mul3A_2, %mul3A_75 : i32
        %mul3A_77 = arith.constant 80 : i32
        %mul3A_78 = arith.muli %add3A_76, %mul3A_77 : i32
        %dma_start3A = tpu.memref_slice %arg9[%mul3A_78] : memref<1310720xf32, #tpu.memory_space<hbm>> -> memref<320xf32, #tpu.memory_space<hbm>>
        %dma_start3A_79 = tpu.memref_slice %arg9[%mul3A_78] : memref<1310720xf32, #tpu.memory_space<hbm>> -> memref<320xf32, #tpu.memory_space<hbm>>
        tpu.enqueue_dma source(%arg17 : memref<320xf32, #tpu.memory_space<vmem>>) target(%dma_start3A_79 : memref<320xf32, #tpu.memory_space<hbm>>) target_semaphore(%arg21 : memref<!tpu.dma_semaphore, #tpu.memory_space<semaphore_mem>>)
      } else {
      }
    }
    %scan3A_16 = arith.constant 128 : i32
    %dma_wait3A = arith.constant 0 : i32
    %dma_wait3A_17 = tpu.memref_slice %arg9[%dma_wait3A] : memref<1310720xf32, #tpu.memory_space<hbm>> -> memref<320xf32, #tpu.memory_space<hbm>>
    %dma_wait3A_18 = arith.constant 0 : i32
    %dma_wait3A_19 = tpu.memref_slice %arg9[%dma_wait3A_18] : memref<1310720xf32, #tpu.memory_space<hbm>> -> memref<320xf32, #tpu.memory_space<hbm>>
    tpu.wait_dma2 semaphore(%arg20 : memref<!tpu.dma_semaphore, #tpu.memory_space<semaphore_mem>>) src(%dma_wait3A_19 : memref<320xf32, #tpu.memory_space<hbm>>) dst(%arg16 : memref<320xf32, #tpu.memory_space<vmem>>)
    %dma_wait3A_20 = arith.constant 0 : i32
    %dma_wait3A_21 = tpu.memref_slice %arg9[%dma_wait3A_20] : memref<1310720xf32, #tpu.memory_space<hbm>> -> memref<320xf32, #tpu.memory_space<hbm>>
    %dma_wait3A_22 = arith.constant 0 : i32
    %dma_wait3A_23 = tpu.memref_slice %arg9[%dma_wait3A_22] : memref<1310720xf32, #tpu.memory_space<hbm>> -> memref<320xf32, #tpu.memory_space<hbm>>
    tpu.wait_dma2 semaphore(%arg21 : memref<!tpu.dma_semaphore, #tpu.memory_space<semaphore_mem>>) src(%dma_wait3A_23 : memref<320xf32, #tpu.memory_space<hbm>>) dst(%arg17 : memref<320xf32, #tpu.memory_space<vmem>>)
    return
  }
}

module attributes {stable_mosaic.version = 14 : i64} {
  func.func @_mlp_body(%arg0: i32, %arg1: memref<4096x80xf32, #tpu.memory_space<vmem>>, %arg2: memref<32x64xf32, #tpu.memory_space<vmem>>, %arg3: memref<32x64xf32, #tpu.memory_space<vmem>>, %arg4: memref<1x64xf32, #tpu.memory_space<vmem>>, %arg5: memref<64x32xf32, #tpu.memory_space<vmem>>, %arg6: memref<1x32xf32, #tpu.memory_space<vmem>>, %arg7: memref<32x16xf32, #tpu.memory_space<vmem>>, %arg8: memref<1x16xf32, #tpu.memory_space<vmem>>, %arg9: memref<1x16xf32, #tpu.memory_space<vmem>>, %arg10: memref<1x16xf32, #tpu.memory_space<vmem>>, %arg11: memref<1x1xf32, #tpu.memory_space<vmem>>, %arg12: memref<4096xf32, #tpu.memory_space<vmem>>) attributes {dimension_semantics = [#tpu.dimension_semantics<arbitrary>], iteration_bounds = array<i64: 4>, scalar_prefetch = 0 : i64, scratch_operands = 0 : i64, tpu.core_type = #tpu.core_type<tc>, window_params = [{transform_indices = @transform_0, window_bounds = array<i64: 4096, 80>}, {pipeline_mode = #tpu.pipeline_mode<synchronous>, transform_indices = @transform_1, window_bounds = array<i64: 32, 64>}, {pipeline_mode = #tpu.pipeline_mode<synchronous>, transform_indices = @transform_2, window_bounds = array<i64: 32, 64>}, {pipeline_mode = #tpu.pipeline_mode<synchronous>, transform_indices = @transform_3, window_bounds = array<i64: 1, 64>}, {pipeline_mode = #tpu.pipeline_mode<synchronous>, transform_indices = @transform_4, window_bounds = array<i64: 64, 32>}, {pipeline_mode = #tpu.pipeline_mode<synchronous>, transform_indices = @transform_5, window_bounds = array<i64: 1, 32>}, {pipeline_mode = #tpu.pipeline_mode<synchronous>, transform_indices = @transform_6, window_bounds = array<i64: 32, 16>}, {pipeline_mode = #tpu.pipeline_mode<synchronous>, transform_indices = @transform_7, window_bounds = array<i64: 1, 16>}, {pipeline_mode = #tpu.pipeline_mode<synchronous>, transform_indices = @transform_8, window_bounds = array<i64: 1, 16>}, {pipeline_mode = #tpu.pipeline_mode<synchronous>, transform_indices = @transform_9, window_bounds = array<i64: 1, 16>}, {pipeline_mode = #tpu.pipeline_mode<synchronous>, transform_indices = @transform_10, window_bounds = array<i64: 1, 1>}, {transform_indices = @transform_11, window_bounds = array<i64: 4096>}]} {
    %get3A = arith.constant 0 : index
    %get3A_0 = arith.constant 0 : index
    %get3A_1 = vector.load %arg1[%get3A, %get3A_0] : memref<4096x80xf32, #tpu.memory_space<vmem>>, vector<4096x80xf32>
    %slice3A = vector.extract_strided_slice %get3A_1 {offsets = [0, 0], sizes = [4096, 16], strides = [1, 1]} : vector<4096x80xf32> to vector<4096x16xf32>
    %slice3A_2 = vector.extract_strided_slice %get3A_1 {offsets = [0, 16], sizes = [4096, 32], strides = [1, 1]} : vector<4096x80xf32> to vector<4096x32xf32>
    %slice3A_3 = vector.extract_strided_slice %get3A_1 {offsets = [0, 48], sizes = [4096, 32], strides = [1, 1]} : vector<4096x80xf32> to vector<4096x32xf32>
    %get3A_4 = arith.constant 0 : index
    %get3A_5 = arith.constant 0 : index
    %get3A_6 = vector.load %arg2[%get3A_4, %get3A_5] : memref<32x64xf32, #tpu.memory_space<vmem>>, vector<32x64xf32>
    %dot_general3A = arith.constant dense<0.000000e+00> : vector<4096x64xf32>
    %dot_general3A_7 = tpu.matmul %slice3A_2, %get3A_6, %dot_general3A {dimension_numbers = #tpu.dot_dimension_numbers<[1], [0], [0], [1], [0, 0, 1, 1], [], []>, transpose_lhs_hint = false} : vector<4096x32xf32>, vector<32x64xf32>, vector<4096x64xf32> -> vector<4096x64xf32>
    %get3A_8 = arith.constant 0 : index
    %get3A_9 = arith.constant 0 : index
    %get3A_10 = vector.load %arg3[%get3A_8, %get3A_9] : memref<32x64xf32, #tpu.memory_space<vmem>>, vector<32x64xf32>
    %dot_general3A_11 = arith.constant dense<0.000000e+00> : vector<4096x64xf32>
    %dot_general3A_12 = tpu.matmul %slice3A_3, %get3A_10, %dot_general3A_11 {dimension_numbers = #tpu.dot_dimension_numbers<[1], [0], [0], [1], [0, 0, 1, 1], [], []>, transpose_lhs_hint = false} : vector<4096x32xf32>, vector<32x64xf32>, vector<4096x64xf32> -> vector<4096x64xf32>
    %add3A = arith.addf %dot_general3A_7, %dot_general3A_12 : vector<4096x64xf32>
    %get3A_13 = arith.constant 0 : index
    %get3A_14 = arith.constant 0 : index
    %get3A_15 = vector.load %arg4[%get3A_13, %get3A_14] : memref<1x64xf32, #tpu.memory_space<vmem>>, vector<1x64xf32>
    %add3A_16 = vector.broadcast %get3A_15 : vector<1x64xf32> to vector<4096x64xf32>
    %add3A_17 = arith.addf %add3A, %add3A_16 : vector<4096x64xf32>
    %max3A = arith.constant 0.000000e+00 : f32
    %max3A_18 = vector.broadcast %max3A : f32 to vector<4096x64xf32>
    %max3A_19 = arith.maximumf %add3A_17, %max3A_18 : vector<4096x64xf32>
    %get3A_20 = arith.constant 0 : index
    %get3A_21 = arith.constant 0 : index
    %get3A_22 = vector.load %arg5[%get3A_20, %get3A_21] : memref<64x32xf32, #tpu.memory_space<vmem>>, vector<64x32xf32>
    %dot_general3A_23 = arith.constant dense<0.000000e+00> : vector<4096x32xf32>
    %dot_general3A_24 = tpu.matmul %max3A_19, %get3A_22, %dot_general3A_23 {dimension_numbers = #tpu.dot_dimension_numbers<[1], [0], [0], [1], [0, 0, 1, 1], [], []>, transpose_lhs_hint = false} : vector<4096x64xf32>, vector<64x32xf32>, vector<4096x32xf32> -> vector<4096x32xf32>
    %get3A_25 = arith.constant 0 : index
    %get3A_26 = arith.constant 0 : index
    %get3A_27 = vector.load %arg6[%get3A_25, %get3A_26] : memref<1x32xf32, #tpu.memory_space<vmem>>, vector<1x32xf32>
    %add3A_28 = vector.broadcast %get3A_27 : vector<1x32xf32> to vector<4096x32xf32>
    %add3A_29 = arith.addf %dot_general3A_24, %add3A_28 : vector<4096x32xf32>
    %max3A_30 = arith.constant 0.000000e+00 : f32
    %max3A_31 = vector.broadcast %max3A_30 : f32 to vector<4096x32xf32>
    %max3A_32 = arith.maximumf %add3A_29, %max3A_31 : vector<4096x32xf32>
    %get3A_33 = arith.constant 0 : index
    %get3A_34 = arith.constant 0 : index
    %get3A_35 = vector.load %arg7[%get3A_33, %get3A_34] : memref<32x16xf32, #tpu.memory_space<vmem>>, vector<32x16xf32>
    %dot_general3A_36 = arith.constant dense<0.000000e+00> : vector<4096x16xf32>
    %dot_general3A_37 = tpu.matmul %max3A_32, %get3A_35, %dot_general3A_36 {dimension_numbers = #tpu.dot_dimension_numbers<[1], [0], [0], [1], [0, 0, 1, 1], [], []>, transpose_lhs_hint = false} : vector<4096x32xf32>, vector<32x16xf32>, vector<4096x16xf32> -> vector<4096x16xf32>
    %get3A_38 = arith.constant 0 : index
    %get3A_39 = arith.constant 0 : index
    %get3A_40 = vector.load %arg8[%get3A_38, %get3A_39] : memref<1x16xf32, #tpu.memory_space<vmem>>, vector<1x16xf32>
    %add3A_41 = vector.broadcast %get3A_40 : vector<1x16xf32> to vector<4096x16xf32>
    %add3A_42 = arith.addf %dot_general3A_37, %add3A_41 : vector<4096x16xf32>
    %max3A_43 = arith.constant 0.000000e+00 : f32
    %max3A_44 = vector.broadcast %max3A_43 : f32 to vector<4096x16xf32>
    %max3A_45 = arith.maximumf %add3A_42, %max3A_44 : vector<4096x16xf32>
    %get3A_46 = arith.constant 0 : index
    %get3A_47 = arith.constant 0 : index
    %get3A_48 = vector.load %arg9[%get3A_46, %get3A_47] : memref<1x16xf32, #tpu.memory_space<vmem>>, vector<1x16xf32>
    %mul3A = vector.broadcast %get3A_48 : vector<1x16xf32> to vector<4096x16xf32>
    %mul3A_49 = arith.mulf %slice3A, %mul3A : vector<4096x16xf32>
    %reduce_sum3A = arith.constant dense<0.000000e+00> : vector<4096xf32>
    %reduce_sum3A_50 = vector.multi_reduction <add>, %mul3A_49, %reduce_sum3A [1] : vector<4096x16xf32> to vector<4096xf32>
    %get3A_51 = arith.constant 0 : index
    %get3A_52 = arith.constant 0 : index
    %get3A_53 = vector.load %arg10[%get3A_51, %get3A_52] : memref<1x16xf32, #tpu.memory_space<vmem>>, vector<1x16xf32>
    %mul3A_54 = vector.broadcast %get3A_53 : vector<1x16xf32> to vector<4096x16xf32>
    %mul3A_55 = arith.mulf %max3A_45, %mul3A_54 : vector<4096x16xf32>
    %reduce_sum3A_56 = arith.constant dense<0.000000e+00> : vector<4096xf32>
    %reduce_sum3A_57 = vector.multi_reduction <add>, %mul3A_55, %reduce_sum3A_56 [1] : vector<4096x16xf32> to vector<4096xf32>
    %add3A_58 = arith.addf %reduce_sum3A_50, %reduce_sum3A_57 : vector<4096xf32>
    %get3A_59 = arith.constant 0 : index
    %get3A_60 = arith.constant 0 : index
    %get3A_61 = vector.load %arg11[%get3A_59, %get3A_60] : memref<1x1xf32, #tpu.memory_space<vmem>>, vector<1x1xf32>
    %reduce_sum3A_62 = vector.shape_cast %get3A_61 : vector<1x1xf32> to vector<1x1x1xf32>
    %reduce_sum3A_63 = arith.constant dense<0.000000e+00> : vector<1xf32>
    %reduce_sum3A_64 = vector.multi_reduction <add>, %reduce_sum3A_62, %reduce_sum3A_63 [1, 2] : vector<1x1x1xf32> to vector<1xf32>
    %reduce_sum3A_65 = vector.shape_cast %reduce_sum3A_64 : vector<1xf32> to vector<1x1x1xf32>
    %reduce_sum3A_66 = vector.extract %reduce_sum3A_65[0, 0, 0] : f32 from vector<1x1x1xf32>
    %add3A_67 = vector.broadcast %reduce_sum3A_66 : f32 to vector<4096xf32>
    %add3A_68 = arith.addf %add3A_58, %add3A_67 : vector<4096xf32>
    %logistic3A = arith.negf %add3A_68 : vector<4096xf32>
    %logistic3A_69 = math.exp %logistic3A : vector<4096xf32>
    %logistic3A_70 = arith.constant 1.000000e+00 : f32
    %logistic3A_71 = vector.broadcast %logistic3A_70 : f32 to vector<4096xf32>
    %logistic3A_72 = arith.addf %logistic3A_71, %logistic3A_69 : vector<4096xf32>
    %logistic3A_73 = arith.divf %logistic3A_71, %logistic3A_72 : vector<4096xf32>
    %swap3A = arith.constant 0 : index
    %swap3A_74 = vector.load %arg12[%swap3A] : memref<4096xf32, #tpu.memory_space<vmem>>, vector<4096xf32>
    tpu.vector_store %arg12[%swap3A], %logistic3A_73 {strides = array<i32>} : memref<4096xf32, #tpu.memory_space<vmem>>, vector<4096xf32>,
    return
  }
  func.func @transform_0(%arg0: i32) -> (i32, i32) {
    %c0_i32 = arith.constant 0 : i32
    %c0_i32_0 = arith.constant 0 : i32
    return %arg0, %c0_i32 : i32, i32
  }
  func.func @transform_1(%arg0: i32) -> (i32, i32) {
    %c0_i32 = arith.constant 0 : i32
    %c0_i32_0 = arith.constant 0 : i32
    %c0_i32_1 = arith.constant 0 : i32
    return %c0_i32, %c0_i32_0 : i32, i32
  }
  func.func @transform_2(%arg0: i32) -> (i32, i32) {
    %c0_i32 = arith.constant 0 : i32
    %c0_i32_0 = arith.constant 0 : i32
    %c0_i32_1 = arith.constant 0 : i32
    return %c0_i32, %c0_i32_0 : i32, i32
  }
  func.func @transform_3(%arg0: i32) -> (i32, i32) {
    %c0_i32 = arith.constant 0 : i32
    %c0_i32_0 = arith.constant 0 : i32
    %c0_i32_1 = arith.constant 0 : i32
    return %c0_i32, %c0_i32_0 : i32, i32
  }
  func.func @transform_4(%arg0: i32) -> (i32, i32) {
    %c0_i32 = arith.constant 0 : i32
    %c0_i32_0 = arith.constant 0 : i32
    %c0_i32_1 = arith.constant 0 : i32
    return %c0_i32, %c0_i32_0 : i32, i32
  }
  func.func @transform_5(%arg0: i32) -> (i32, i32) {
    %c0_i32 = arith.constant 0 : i32
    %c0_i32_0 = arith.constant 0 : i32
    %c0_i32_1 = arith.constant 0 : i32
    return %c0_i32, %c0_i32_0 : i32, i32
  }
  func.func @transform_6(%arg0: i32) -> (i32, i32) {
    %c0_i32 = arith.constant 0 : i32
    %c0_i32_0 = arith.constant 0 : i32
    %c0_i32_1 = arith.constant 0 : i32
    return %c0_i32, %c0_i32_0 : i32, i32
  }
  func.func @transform_7(%arg0: i32) -> (i32, i32) {
    %c0_i32 = arith.constant 0 : i32
    %c0_i32_0 = arith.constant 0 : i32
    %c0_i32_1 = arith.constant 0 : i32
    return %c0_i32, %c0_i32_0 : i32, i32
  }
  func.func @transform_8(%arg0: i32) -> (i32, i32) {
    %c0_i32 = arith.constant 0 : i32
    %c0_i32_0 = arith.constant 0 : i32
    %c0_i32_1 = arith.constant 0 : i32
    return %c0_i32, %c0_i32_0 : i32, i32
  }
  func.func @transform_9(%arg0: i32) -> (i32, i32) {
    %c0_i32 = arith.constant 0 : i32
    %c0_i32_0 = arith.constant 0 : i32
    %c0_i32_1 = arith.constant 0 : i32
    return %c0_i32, %c0_i32_0 : i32, i32
  }
  func.func @transform_10(%arg0: i32) -> (i32, i32) {
    %c0_i32 = arith.constant 0 : i32
    %c0_i32_0 = arith.constant 0 : i32
    %c0_i32_1 = arith.constant 0 : i32
    return %c0_i32, %c0_i32_0 : i32, i32
  }
  func.func @transform_11(%arg0: i32) -> i32 {
    %c0_i32 = arith.constant 0 : i32
    return %arg0 : i32
  }
}

</mosaic_0001>

<sc_bundles>
// kernel: kernel.4.cloned.1.call-start
scs
__scs_entry_jumppad:
0x0: {  	(pc) =	sbr.rel $0x88, $3  }
0x1: {  	(tag) =	ssettag $0x0;
	lr =	simm.s32 $0x1  }
0x2: {  	[smem:$0x3F93] =	sst lr;
	_ =	strace $0xD0000000  }
0x3: {  	_ = 	snop  }
0x4: {  	_ = 	snop  }
0x5: {  	_ = 	snop  }
0x6: {  	_ = 	snop  }
0x7: {  	_ = 	snop  }
__scs_overlays_trampoline_lowered:
0x8: {  	[smem:$0x3FA2] =	sst s0  }
0x9: {  	[smem:$0x3FA3] =	sst s1  }
0xa: {  	[smem:$0x3FA4] =	sst s2  }
0xb: {  	[smem:$0x3FA5] =	sst s3  }
0xc: {  	[smem:$0x3FA6] =	sst s4  }
0xd: {  	[smem:$0x3FA7] =	sst s5  }
0xe: {  	[smem:$0x3FA8] =	sst s6  }
0xf: {  	[smem:$0x3FA9] =	sst s7  }
0x10: {  	[smem:$0x3FAA] =	sst s8  }
0x11: {  	[smem:$0x3FAB] =	sst s9;
	s0 =	simm.s32 @!p0 $0x0  }
0x12: {  	s1 =	sld [smem:$0x3F91];
	s0 =	simm.s32 @p0 $0x1  }
0x13: {  	[smem:$0x3FAC] =	sst s0;
	s0 =	simm.s32 @!p1 $0x0  }
0x14: {  	s2 =	sld [smem:$0x3F90];
	s0 =	simm.s32 @p1 $0x1  }
0x15: {  	[smem:$0x3FAD] =	sst s0;
	s0 =	simm.s32 @!p2 $0x0  }
0x16: {  	s3 =	sld [smem:$0x3FDB];
	s0 =	simm.s32 @p2 $0x1  }
0x17: {  	s4 =	simm.s32 $0x1BF5;
	[smem:$0x3FAF] =	sst s0  }
0x18: {  	s0 =	sld [smem:$0x3F92];
	_ =	swait.ge [sflag:s4], $0x0  }
0x19: {  	s7 =	sld [smem:$0x3F93]  }
0x1a: {  	s8 =	sadd.s32 $0xFFFFE003, lr  }
0x1b: {  	s9 =	sadd.s32 $0xFFFFFEF7, lr;
	s5 =	simm.s32 $0xFFFFFFFF;
	p2 =	slt.u32 s8, $0xFFFFF086  }
0x1c: {  	p1 =	slt.u32 s9, $0xF7A;
	s5 =	simm.s32 @!p2 $0x0  }
0x1d: {  	s5 =	simm.s32 @p1 $0x1;
	p0 =	seq.s32 s7, s2  }
0x1e: {  	s7 =	smul.u32 @!p0 $0xF7A, s2;
	p2 =	seq.s32 @!p0 s5, $0x0  }
0x1f: {  	s9 =	smul.u32 $0xF7A, s1;
	s8 =	simm.s32 @!p0 $0x1BF5;
	p2 =	por !p2, p0  }
0x20: {  	[sflag:s8] =	ssyncset.s32 @!p0 $0xFFFFF086;
	s6 =	sadd.s32 @!p0 s3, s7;
	s7 =	simm.s32 @!p0 $0x108  }
0x21: {  	s3 =	sadd.s32 s3, s9;
	s6 =	sadd.s32 @!p0 $0x88, s6;
	s7 =	simm.s32 @p2 $0x1082  }
0x22: {  	[simem:s7], [sflag:s8] =	dma.local @!p0 [hbm:s6], $0xF7A  }
0x23: {  	s9 =	sor.u32 $0xD0000000, s2;
	s6 =	simm.s32 $0x108;
	_ =	swait.ge @!p0 [sflag:s8], $0x0  }
0x24: {  	s3 =	sadd.s32 $0x88, s3;
	s6 =	simm.s32 @!p1 $0x1082;
	[sflag:s4] =	ssyncset.s32 $0xFFFFF086  }
0x25: {  	[simem:s6], [sflag:s4] =	dma.local [hbm:s3], $0xF7A  }
0x26: {  	[smem:$0x3F93] =	sst s1;
	(tag) =	ssettag s2;
	_ =	strace s9  }
0x27: {  	s1 =	sld [smem:$0x3FA3]  }
0x28: {  	s2 =	sld [smem:$0x3FA4]  }
0x29: {  	s4 =	sld [smem:$0x3FA6]  }
0x2a: {  	p0 =	seq.s32 s5, $0x0;
	s5 =	sld [smem:$0x3FA7]  }
0x2b: {  	s6 =	sld [smem:$0x3FA8]  }
0x2c: {  	s7 =	sld [smem:$0x3FA9]  }
0x2d: {  	s3 =	simm.s32 $0x108;
	s8 =	sld [smem:$0x3FAA]  }
0x2e: {  	s3 =	simm.s32 @!p0 $0x1082;
	s9 =	sld [smem:$0x3FAB]  }
0x2f: {  	lr =	sadd.s32 s0, s3;
	s0 =	sld [smem:$0x3FA2]  }
0x30: {  	s3 =	sld [smem:$0x3FA5]  }
0x31: {  	[smem:$0x3FAE] =	sst s10  }
0x32: {  	s10 =	sld [smem:$0x3FAC];
	_ =	sdelay $0x3  }
0x33: {  	p0 =	seq.s32 s10, $0x1;
	s10 =	sld [smem:$0x3FAE];
	_ =	sdelay $0x3  }
0x34: {  	[smem:$0x3FAE] =	sst s10  }
0x35: {  	s10 =	sld [smem:$0x3FAD];
	_ =	sdelay $0x3  }
0x36: {  	p1 =	seq.s32 s10, $0x1;
	s10 =	sld [smem:$0x3FAE];
	_ =	sdelay $0x3  }
0x37: {  	[smem:$0x3FAE] =	sst s10  }
0x38: {  	s10 =	sld [smem:$0x3FAF]  }
0x39: {  	_ = 	snop;
	(pc) =	sbr.ind lr, $3  }
0x3a: {  	_ = 	snop  }
0x3b: {  	_ = 	snop  }
0x3c: {  	p2 =	seq.s32 s10, $0x1;
	s10 =	sld [smem:$0x3FAE]  }
0x3d: {  	_ =	shalt  }
0x3e: {  	_ =	shalt  }
0x3f: {  	_ =	shalt  }
0x40: {  	_ =	shalt  }
0x41: {  	_ =	shalt  }
0x42: {  	_ =	shalt  }
0x43: {  	_ =	shalt  }
0x44: {  	_ =	shalt  }
0x45: {  	_ =	shalt  }
0x46: {  	_ =	shalt  }
0x47: {  	_ =	shalt  }
0x48: {  	_ =	shalt  }
0x49: {  	_ =	shalt  }
0x4a: {  	_ =	shalt  }
0x4b: {  	_ =	shalt  }
0x4c: {  	_ =	shalt  }
0x4d: {  	_ =	shalt  }
0x4e: {  	_ =	shalt  }
0x4f: {  	_ =	shalt  }
0x50: {  	_ =	shalt  }
0x51: {  	_ =	shalt  }
0x52: {  	_ =	shalt  }
0x53: {  	_ =	shalt  }
0x54: {  	_ =	shalt  }
0x55: {  	_ =	shalt  }
0x56: {  	_ =	shalt  }
0x57: {  	_ =	shalt  }
0x58: {  	_ =	shalt  }
0x59: {  	_ =	shalt  }
0x5a: {  	_ =	shalt  }
0x5b: {  	_ =	shalt  }
0x5c: {  	_ =	shalt  }
0x5d: {  	_ =	shalt  }
0x5e: {  	_ =	shalt  }
0x5f: {  	_ =	shalt  }
0x60: {  	_ =	shalt  }
0x61: {  	_ =	shalt  }
0x62: {  	_ =	shalt  }
0x63: {  	_ =	shalt  }
0x64: {  	_ =	shalt  }
0x65: {  	_ =	shalt  }
0x66: {  	_ =	shalt  }
0x67: {  	_ =	shalt  }
0x68: {  	_ =	shalt  }
0x69: {  	_ =	shalt  }
0x6a: {  	_ =	shalt  }
0x6b: {  	_ =	shalt  }
0x6c: {  	_ =	shalt  }
0x6d: {  	_ =	shalt  }
0x6e: {  	_ =	shalt  }
0x6f: {  	_ =	shalt  }
0x70: {  	_ =	shalt  }
0x71: {  	_ =	shalt  }
0x72: {  	_ =	shalt  }
0x73: {  	_ =	shalt  }
0x74: {  	_ =	shalt  }
0x75: {  	_ =	shalt  }
0x76: {  	_ =	shalt  }
0x77: {  	_ =	shalt  }
0x78: {  	_ =	shalt  }
0x79: {  	_ =	shalt  }
0x7a: {  	_ =	shalt  }
0x7b: {  	_ =	shalt  }
0x7c: {  	_ =	shalt  }
0x7d: {  	_ =	shalt  }
0x7e: {  	_ =	shalt  }
0x7f: {  	_ =	shalt  }
0x80: {  	_ =	shalt  }
0x81: {  	_ =	shalt  }
0x82: {  	_ =	shalt  }
0x83: {  	_ =	shalt  }
0x84: {  	_ =	shalt  }
0x85: {  	_ =	shalt  }
0x86: {  	_ =	shalt  }
0x87: {  	_ =	shalt  }
.Lfunc_end0:
.L_simem_size_0:
called_computation_lowered:
.L_overlay_start_0:
0x88: {  	s2 =	sld [smem:$0x3FD9]  }
0x89: {  	s3 =	sld [smem:$0x3FFE];
	_ =	sdelay $0x1  }
0x8a: {  	s1 =	srdreg.scid  }
0x8b: {  	s0 =	sand.u32 $0x1, s1  }
0x8c: {  	s17 =	sshll.u32 s0, $0xA;
	s2 =	sadd.s32 s3, s2  }
0x8d: {  	s2 =	sadd.s32 s2, s17  }
0x8e: {  	[smem:$0x3FBA] =	sst s2  }
0x8f: {  	_ = 	snop  }
0x90: {  	s2 =	sld [smem:$0x3FC9]  }
0x91: {  	s18 =	sld [smem:$0x3FC8]  }
0x92: {  	s4 =	sld [smem:$0x3FC7]  }
0x93: {  	s5 =	sld [smem:$0x3FC6]  }
0x94: {  	s6 =	sld [smem:$0x3FC5]  }
0x95: {  	s7 =	sld [smem:$0x3FC4];
	(tm) =	ssettm $0x1  }
0x96: {  	s8 =	sld [smem:$0x3FFB];
	_ =	sdelay $0x3  }
0x97: {  	_ =	strace s8  }
0x98: {  	s8 =	sld [smem:$0x3FFC];
	_ =	sdelay $0x3  }
0x99: {  	_ =	strace s8  }
0x9a: {  	s8 =	sld [smem:$0x3FFD];
	_ =	sdelay $0x3  }
0x9b: {  	_ =	strace s8  }
0x9c: {  	_ =	strace $0x8FFFFFFF  }
0x9d: {  	s19 =	sld [smem:$0x3FDB];
	_ =	sdelay $0x1  }
0x9e: {  	s9 =	simm.s32 $_scs_section_size  }
0x9f: {  	s10 =	simm.s32 $_size__tile_overlayer_lowered;
	s11 =	simm.s32 $_tile_overlayer_lowered  }
0xa0: {  	s22 =	simm.s32 $0x1BFF;
	s21 =	sshll.u32 s11, $0x1;
	s8 =	sadd.s32 s9, s19  }
0xa1: {  	s12 =	simm.s32 $0x0;
	s20 =	sshll.u32 s10, $0x1;
	s10 =	sadd.s32 s21, s8  }
0xa2: {  	[timem:s12], [sflag:s22] =	dma.local [hbm:s10], s20  }
0xa3: {  	_ =	swait.ge [sflag:s22], s20  }
0xa4: {  	s9 =	ssub.s32 $0x0, s20;
	[sflag:s22] =	ssyncset.done $0x0  }
0xa5: {  	[sflag:s22] =	ssyncadd.s32 s9;
	_ =	sdelay $0x1  }
0xa6: {  	s23 =	simm.s32 $0x1B8B  }
0xa7: {  	_ =	swait.ge [sflag:s23], $0x1  }
0xa8: {  	[sflag:s23] =	ssyncset.done $0x0  }
0xa9: {  	s25 =	simm.s32 $0x1B8E;
	s24 =	sld [smem:$0x3FFE];
	[sflag:s23] =	ssyncadd.s32 $0xFFFFFFFF  }
0xaa: {  	s26 =	simm.s32 $execute0_lowered;
	[smem:$0x3FD2] =	sst s25  }
0xab: {  	s10 =	sshll.u32 s26, $0x1;
	_ =	strace $0x80000046;
	[dreg:$0x1] =	wrdreg $0xFFFFFFFF  }
0xac: {  	s28 =	simm.s32 $_size_execute0_lowered;
	s8 =	sadd.s32 s8, s10;
	[dreg:$0x0] =	wrdreg $0x0  }
0xad: {  	s10 =	sshll.u32 s28, $0x1;
	[dreg:$0x2] =	wrdreg s8  }
0xae: {  	[dreg:$0x3] =	wrdreg s10  }
0xaf: {  	[dreg:$0x4] =	wrdreg $0xC0  }
0xb0: {  	_ =	task [dreg:s12], $0x5FFFF  }
0xb1: {  	[dreg:$0x1] =	wrdreg $0xFFFFFFFF  }
0xb2: {  	[dreg:$0x0] =	wrdreg $0x60  }
0xb3: {  	[dreg:$0x2] =	wrdreg s2  }
0xb4: {  	[dreg:$0x3] =	wrdreg s18  }
0xb5: {  	[dreg:$0x4] =	wrdreg s4  }
0xb6: {  	[dreg:$0x5] =	wrdreg s5  }
0xb7: {  	[dreg:$0x6] =	wrdreg s6  }
0xb8: {  	[dreg:$0x7] =	wrdreg s7  }
0xb9: {  	[dreg:$0x8] =	wrdreg s24  }
0xba: {  	[dreg:$0x9] =	wrdreg $0x9  }
0xbb: {  	_ =	task.clear_ibuf [dreg:s12], $0xAFFFF;
	_ =	strace $0x90000046  }
0xbc: {  	s29 =	simm.s32 $0x9;
	_ =	strace $0x80000048  }
0xbd: {  	_ =	swait.ge [sflag:s29], $0x1  }
0xbe: {  	[sflag:s29] =	ssyncadd.s32 $0xFFFFFFFF  }
0xbf: {  	_ =	strace $0x90000048  }
0xc0: {  	_ =	sfence  }
0xc1: {  	s30 =	sld [smem:$0x0];
	_ =	sdelay $0x2  }
0xc2: {  	s31 =	sshll.u32 s1, $0xD;
	s1 =	sshrl.u32 s1, $0x2  }
0xc3: {  	s3 =	sand.u32 $0x4000, s31;
	s1 =	sadd.s32 s1, s30  }
0xc4: {  	s0 =	sor.u32 s3, s0;
	s1 =	sshll.u32 s1, $0x11  }
0xc5: {  	s0 =	sor.u32 s1, s0  }
0xc6: {  	s0 =	sadd.s32 $0x8F2B, s0  }
0xc7: {  	[sflag:s0] =	ssyncadd.remote.s32 $0x1  }
0xc8: {  	_ =	sfence.sel $0xFFFF  }
0xc9: {  	[dreg:$0x0] =	wrdreg $0xFFFFFFFF;
	(pc) =	sbr.abs _section_cstart, $3  }
0xca: {  	[dreg:$0x1] =	wrdreg $0xFFFFFFFF  }
0xcb: {  	_ =	task.clear_ibuf [dreg:s12], $0x2FFFF;
	_ =	strace $0x9FFFFFFF  }
0xcc: {  	(tm) =	ssettm $0x7FFFFFFF  }
0xcd: {  	_ =	shalt  }
tec
execute0_lowered:
.L_overlay_start_1:
0x0: {  	(tag) =	ssettag $0x1  }
0x1: {  	s0 =	rddreg [dreg:$0x0]  }
0x2: {  	s4 =	rddreg [dreg:$0x1]  }
0x3: {  	s1 =	rddreg [dreg:$0x2]  }
0x4: {  	s2 =	rddreg [dreg:$0x3]  }
0x5: {  	s3 =	rddreg [dreg:$0x4]  }
0x6: {  	s5 =	rddreg [dreg:$0x5]  }
0x7: {  	s8 =	rddreg [dreg:$0x6]  }
0x8: {  	s6 =	srdreg.scid;
	s9 =	stileid.u32;
	s15 =	simm.s32 $0x400  }
0x9: {  	s16 =	simm.s32 $0x7A1400;
	s12 =	simm.s32 $0xC000;
	s14 =	simm.s32 $0x18580  }
0xa: {  	s28 =	simm.s32 $0x17000;
	s29 =	simm.s32 $0x1;
	s7 =	sand.u32 $0x1, s6  }
0xb: {  	s30 =	simm.s32 $0x18400;
	s9 =	sshll.u32 s9, $0xA;
	s10 =	sshll.u32 s7, $0x9  }
0xc: {  	s6 =	simm.s32 $0x0;
	s11 =	ssub.s32 $0x2, s7;
	s7 =	sor.u32 s10, s9  }
.Ltmp0:
0xd: {  	[smem:$0x7FF] =	sst s6;
	s10 =	sshrl.u32 s7, $0x3;
	(pc) =	sbr.rel .LBB2_1-.Ltmp0, $4  }
0xe: {  	_ =	strace $0x80000047;
	s25 =	sshrl.u32 s11, $0x1;
	s0 =	sadd.s32 s0, s10  }
0xf: {  	s9 =	ssub.s32 s11, s25;
	s26 =	sadd.s32 s4, s10;
	[dreg:$0x8] =	wrdreg s0  }
0x10: {  	v0 =	vlaneseq.u32;
	s8 =	sadd.s32 $0x2E00, s8;
	s31 =	smax.u32 s9, $0x1;
	[dreg:$0x9] =	wrdreg s26  }
0x11: {  	v0 =	vmul.u32 $0x80, v0;
	s4 =	simm.s32 $0x2;
	s10 =	simm.s32 $0x0;
	[dreg:$0xa] =	wrdreg s31  }
.LBB2_14:
0x12: {  	s0 =	simm.s32 $0x3  }
0x13: {  	_ =	swait.ge [sflag:s0], $0x140  }
0x14: {  	[sflag:s0] =	ssyncset.done $0x0  }
0x15: {  	s9 =	simm.s32 $0x4;
	[sflag:s0] =	ssyncadd.s32 $0xFFFFFEC0  }
0x16: {  	_ =	swait.ge [sflag:s9], $0x140  }
0x17: {  	s10 =	rddreg [dreg:$0xb]  }
0x18: {  	s31 =	rddreg [dreg:$0xa];
	s10 =	sadd.s32 $0x1, s10  }
0x19: {  	p0 =	sne.s32 s10, s31  }
.Ltmp1:
0x1a: {  	_ = 	snop;
	(pc) =	sbr.rel @!p0 .LBB2_15-.Ltmp1, $3  }
0x1b: {  	_ =	sdelay $0x1  }
0x1c: {  	[sflag:s9] =	ssyncset.done $0x0  }
0x1d: {  	[sflag:s9] =	ssyncadd.s32 $0xFFFFFEC0  }
.LBB2_1:
0x1e: {  	[dreg:$0xb] =	wrdreg s10  }
0x1f: {  	s0 =	rddreg [dreg:$0x8];
	s9 =	simm.s32 $0x18000;
	s23 =	simm.s32 $0x5  }
0x20: {  	[tilespmem:s9], [sflag:$0x5] =	stream.linear.gather [hbm4b:s0+s6], $0x200, $0x38;
	[tilespmem:$0x18700] =	vst v63  }
0x21: {  	_ =	swait.ge [sflag:s23], $0x200  }
0x22: {  	[sflag:s23] =	ssyncset.done $0x0  }
0x23: {  	s25 =	simm.s32 $0x18200;
	s24 =	rddreg [dreg:$0x9];
	[sflag:s23] =	ssyncadd.s32 $0xFFFFFE00  }
0x24: {  	[tilespmem:s25], [sflag:$0x5] =	stream.linear.gather [hbm4b:s24+s6], $0x200, $0x38;
	[tilespmem:$0x18700] =	vst v63  }
0x25: {  	_ =	swait.ge [sflag:s23], $0x200  }
0x26: {  	[sflag:s23] =	ssyncset.done $0x0  }
0x27: {  	s0 =	simm.s32 $0x0;
	[sflag:s23] =	ssyncadd.s32 $0xFFFFFE00  }
0x28: {  	v3 =	vld [tilespmem:s0+$0x18000]  }
0x29: {  	v4 =	vld [tilespmem:s0+$0x18200];
	_ =	sdelay $0x3  }
0x2a: {  	(v2sf) =	vpush v3, $0x0  }
0x2b: {  	(v2sf) =	vpush v4, $0x0;
	_ =	sdelay $0x1  }
0x2c: {  	(v2sf) =	vpush v3, $0x1  }
0x2d: {  	(v2sf) =	vpush v4, $0x1  }
0x2e: {  	(v2sf) =	vpush v3, $0x2  }
0x2f: {  	(v2sf) =	vpush v4, $0x2  }
0x30: {  	(v2sf) =	vpush v3, $0x3  }
0x31: {  	(v2sf) =	vpush v4, $0x3  }
0x32: {  	(v2sf) =	vpush v3, $0x4  }
0x33: {  	(v2sf) =	vpush v4, $0x4  }
0x34: {  	(v2sf) =	vpush v3, $0x5  }
0x35: {  	(v2sf) =	vpush v4, $0x5  }
0x36: {  	(v2sf) =	vpush v3, $0x6  }
0x37: {  	(v2sf) =	vpush v4, $0x6  }
0x38: {  	(v2sf) =	vpush v3, $0x7;
	s26 =	spop (v2sf)  }
0x39: {  	(v2sf) =	vpush v4, $0x7;
	[smem:s0] =	sst s26;
	s31 =	spop (v2sf)  }
0x3a: {  	(v2sf) =	vpush v3, $0x8;
	[smem:$0x200] =	sst s31  }
0x3b: {  	s9 =	spop (v2sf)  }
0x3c: {  	(v2sf) =	vpush v4, $0x8;
	[smem:$0x1] =	sst s9  }
0x3d: {  	s9 =	spop (v2sf)  }
0x3e: {  	(v2sf) =	vpush v3, $0x9;
	[smem:$0x201] =	sst s9  }
0x3f: {  	s9 =	spop (v2sf)  }
0x40: {  	(v2sf) =	vpush v4, $0x9;
	[smem:$0x2] =	sst s9  }
0x41: {  	s9 =	spop (v2sf)  }
0x42: {  	(v2sf) =	vpush v3, $0xA;
	[smem:$0x202] =	sst s9  }
0x43: {  	s9 =	spop (v2sf)  }
0x44: {  	(v2sf) =	vpush v4, $0xA;
	[smem:$0x3] =	sst s9  }
0x45: {  	s9 =	spop (v2sf)  }
0x46: {  	(v2sf) =	vpush v3, $0xB;
	[smem:$0x203] =	sst s9  }
0x47: {  	s9 =	spop (v2sf)  }
0x48: {  	(v2sf) =	vpush v4, $0xB;
	[smem:$0x4] =	sst s9  }
0x49: {  	s9 =	spop (v2sf)  }
0x4a: {  	(v2sf) =	vpush v3, $0xC;
	[smem:$0x204] =	sst s9  }
0x4b: {  	s9 =	spop (v2sf)  }
0x4c: {  	(v2sf) =	vpush v4, $0xC;
	[smem:$0x5] =	sst s9  }
0x4d: {  	s9 =	spop (v2sf)  }
0x4e: {  	(v2sf) =	vpush v3, $0xD;
	[smem:$0x205] =	sst s9  }
0x4f: {  	s11 =	simm.s32 $0x10;
	s9 =	spop (v2sf)  }
0x50: {  	(v2sf) =	vpush v4, $0xD;
	v1 =	vld [tilespmem:s11+$0x18000];
	[smem:$0x6] =	sst s9  }
0x51: {  	s9 =	spop (v2sf)  }
0x52: {  	(v2sf) =	vpush v3, $0xE;
	v2 =	vld [tilespmem:s11+$0x18200];
	[smem:$0x206] =	sst s9  }
0x53: {  	s9 =	spop (v2sf)  }
0x54: {  	(v2sf) =	vpush v4, $0xE;
	[smem:$0x7] =	sst s9  }
0x55: {  	s9 =	spop (v2sf)  }
0x56: {  	(v2sf) =	vpush v3, $0xF;
	[smem:$0x207] =	sst s9  }
0x57: {  	s9 =	spop (v2sf)  }
0x58: {  	(v2sf) =	vpush v4, $0xF;
	[smem:$0x8] =	sst s9  }
0x59: {  	s9 =	spop (v2sf)  }
0x5a: {  	(v2sf) =	vpush v1, $0x0;
	[smem:$0x208] =	sst s9  }
0x5b: {  	s9 =	spop (v2sf)  }
0x5c: {  	(v2sf) =	vpush v2, $0x0;
	[smem:$0x9] =	sst s9  }
0x5d: {  	s9 =	spop (v2sf)  }
0x5e: {  	(v2sf) =	vpush v1, $0x1;
	[smem:$0x209] =	sst s9  }
0x5f: {  	s9 =	spop (v2sf)  }
0x60: {  	(v2sf) =	vpush v2, $0x1;
	[smem:$0xA] =	sst s9  }
0x61: {  	s9 =	spop (v2sf)  }
0x62: {  	(v2sf) =	vpush v1, $0x2;
	[smem:$0x20A] =	sst s9  }
0x63: {  	s9 =	spop (v2sf)  }
0x64: {  	(v2sf) =	vpush v2, $0x2;
	[smem:$0xB] =	sst s9  }
0x65: {  	s9 =	spop (v2sf)  }
0x66: {  	(v2sf) =	vpush v1, $0x3;
	[smem:$0x20B] =	sst s9  }
0x67: {  	s9 =	spop (v2sf)  }
0x68: {  	(v2sf) =	vpush v2, $0x3;
	[smem:$0xC] =	sst s9  }
0x69: {  	s9 =	spop (v2sf)  }
0x6a: {  	(v2sf) =	vpush v1, $0x4;
	[smem:$0x20C] =	sst s9  }
0x6b: {  	s9 =	spop (v2sf)  }
0x6c: {  	(v2sf) =	vpush v2, $0x4;
	[smem:$0xD] =	sst s9  }
0x6d: {  	s9 =	spop (v2sf)  }
0x6e: {  	(v2sf) =	vpush v1, $0x5;
	[smem:$0x20D] =	sst s9  }
0x6f: {  	s9 =	spop (v2sf)  }
0x70: {  	(v2sf) =	vpush v2, $0x5;
	[smem:$0xE] =	sst s9  }
0x71: {  	s9 =	spop (v2sf)  }
0x72: {  	(v2sf) =	vpush v1, $0x6;
	[smem:$0x20E] =	sst s9  }
0x73: {  	s9 =	spop (v2sf)  }
0x74: {  	(v2sf) =	vpush v2, $0x6;
	[smem:$0xF] =	sst s9  }
0x75: {  	s9 =	simm.s32 $0x80;
	s10 =	spop (v2sf)  }
.LBB2_2:
0x76: {  	p0 =	sne.s32 s9, $0x7C0;
	[smem:s0+$0x20F] =	sst s10  }
0x77: {  	(v2sf) =	vpush v1, $0x7;
	s10 =	smov.u32 s9;
	s9 =	sadd.s32 $0x40, s9;
	s0 =	smov.u32 s11  }
0x78: {  	s11 =	spop (v2sf);
	(v2sf) =	vpush v2, $0x7  }
0x79: {  	[smem:s0] =	sst s11;
	s11 =	spop (v2sf);
	(v2sf) =	vpush v1, $0x8  }
0x7a: {  	[smem:s0+$0x200] =	sst s11;
	s11 =	spop (v2sf);
	(v2sf) =	vpush v2, $0x8  }
0x7b: {  	[smem:s0+$0x1] =	sst s11;
	s11 =	spop (v2sf);
	(v2sf) =	vpush v1, $0x9  }
0x7c: {  	[smem:s0+$0x201] =	sst s11;
	s11 =	spop (v2sf);
	(v2sf) =	vpush v2, $0x9  }
0x7d: {  	[smem:s0+$0x2] =	sst s11;
	s11 =	spop (v2sf);
	(v2sf) =	vpush v1, $0xA  }
0x7e: {  	[smem:s0+$0x202] =	sst s11;
	s11 =	spop (v2sf);
	(v2sf) =	vpush v2, $0xA  }
0x7f: {  	[smem:s0+$0x3] =	sst s11;
	s11 =	spop (v2sf);
	(v2sf) =	vpush v1, $0xB  }
0x80: {  	[smem:s0+$0x203] =	sst s11;
	s11 =	spop (v2sf);
	(v2sf) =	vpush v2, $0xB  }
0x81: {  	[smem:s0+$0x4] =	sst s11;
	s11 =	spop (v2sf);
	(v2sf) =	vpush v1, $0xC  }
0x82: {  	[smem:s0+$0x204] =	sst s11;
	s11 =	spop (v2sf);
	(v2sf) =	vpush v2, $0xC  }
0x83: {  	[smem:s0+$0x5] =	sst s11;
	s13 =	spop (v2sf);
	(v2sf) =	vpush v1, $0xD  }
0x84: {  	s11 =	sshra.s32 s10, $0x2;
	[smem:s0+$0x205] =	sst s13;
	s10 =	spop (v2sf);
	(v2sf) =	vpush v2, $0xD  }
0x85: {  	v3 =	vld [tilespmem:s11+$0x18000];
	[smem:s0+$0x6] =	sst s10;
	s10 =	spop (v2sf);
	(v2sf) =	vpush v1, $0xE  }
0x86: {  	v4 =	vld [tilespmem:s11+$0x18200];
	[smem:s0+$0x206] =	sst s10;
	s10 =	spop (v2sf);
	(v2sf) =	vpush v2, $0xE  }
0x87: {  	[smem:s0+$0x7] =	sst s10;
	s10 =	spop (v2sf);
	(v2sf) =	vpush v1, $0xF  }
0x88: {  	[smem:s0+$0x207] =	sst s10;
	s10 =	spop (v2sf);
	(v2sf) =	vpush v2, $0xF  }
0x89: {  	[smem:s0+$0x8] =	sst s10;
	s10 =	spop (v2sf)  }
0x8a: {  	(v2sf) =	vpush v3, $0x0;
	[smem:s0+$0x208] =	sst s10;
	s10 =	spop (v2sf);
	v1 =	vmov v3  }
0x8b: {  	(v2sf) =	vpush v4, $0x0;
	[smem:s0+$0x9] =	sst s10;
	s10 =	spop (v2sf);
	v2 =	vmov v4  }
0x8c: {  	(v2sf) =	vpush v1, $0x1;
	[smem:s0+$0x209] =	sst s10;
	s10 =	spop (v2sf)  }
0x8d: {  	(v2sf) =	vpush v2, $0x1;
	[smem:s0+$0xA] =	sst s10;
	s10 =	spop (v2sf)  }
0x8e: {  	(v2sf) =	vpush v1, $0x2;
	[smem:s0+$0x20A] =	sst s10;
	s10 =	spop (v2sf)  }
0x8f: {  	(v2sf) =	vpush v2, $0x2;
	[smem:s0+$0xB] =	sst s10;
	s10 =	spop (v2sf)  }
0x90: {  	(v2sf) =	vpush v1, $0x3;
	[smem:s0+$0x20B] =	sst s10;
	s10 =	spop (v2sf)  }
0x91: {  	(v2sf) =	vpush v2, $0x3;
	[smem:s0+$0xC] =	sst s10;
	s10 =	spop (v2sf)  }
0x92: {  	(v2sf) =	vpush v1, $0x4;
	[smem:s0+$0x20C] =	sst s10;
	s10 =	spop (v2sf)  }
0x93: {  	[smem:s0+$0xD] =	sst s10  }
.Ltmp2:
0x94: {  	(v2sf) =	vpush v2, $0x4;
	s10 =	spop (v2sf);
	(pc) =	sbr.rel @p0 .LBB2_2-.Ltmp2, $4  }
0x95: {  	(v2sf) =	vpush v1, $0x5;
	[smem:s0+$0x20D] =	sst s10;
	s10 =	spop (v2sf)  }
0x96: {  	(v2sf) =	vpush v2, $0x5;
	[smem:s0+$0xE] =	sst s10;
	s10 =	spop (v2sf)  }
0x97: {  	(v2sf) =	vpush v1, $0x6;
	[smem:s0+$0x20E] =	sst s10;
	s10 =	spop (v2sf)  }
0x98: {  	(v2sf) =	vpush v2, $0x6;
	[smem:s0+$0xF] =	sst s10;
	s10 =	spop (v2sf)  }
0x99: {  	(v2sf) =	vpush v1, $0x7  }
0x9a: {  	[smem:s0+$0x20F] =	sst s10;
	s25 =	spop (v2sf);
	(v2sf) =	vpush v2, $0x7  }
0x9b: {  	[smem:s11] =	sst s25;
	s26 =	spop (v2sf);
	(v2sf) =	vpush v1, $0x8  }
0x9c: {  	[smem:s11+$0x200] =	sst s26;
	s9 =	spop (v2sf);
	(v2sf) =	vpush v2, $0x8  }
0x9d: {  	[smem:s11+$0x1] =	sst s9;
	s10 =	spop (v2sf);
	(v2sf) =	vpush v1, $0x9  }
0x9e: {  	[smem:s11+$0x201] =	sst s10;
	s13 =	spop (v2sf);
	(v2sf) =	vpush v2, $0x9  }
0x9f: {  	[smem:s11+$0x2] =	sst s13;
	s17 =	spop (v2sf);
	(v2sf) =	vpush v1, $0xA  }
0xa0: {  	[smem:s11+$0x202] =	sst s17;
	s18 =	spop (v2sf);
	(v2sf) =	vpush v2, $0xA  }
0xa1: {  	[smem:s11+$0x3] =	sst s18;
	s19 =	spop (v2sf);
	(v2sf) =	vpush v1, $0xB  }
0xa2: {  	[smem:s11+$0x203] =	sst s19;
	s20 =	spop (v2sf);
	(v2sf) =	vpush v2, $0xB  }
0xa3: {  	[smem:s11+$0x4] =	sst s20;
	s21 =	spop (v2sf);
	(v2sf) =	vpush v1, $0xC  }
0xa4: {  	[smem:s11+$0x204] =	sst s21;
	s22 =	spop (v2sf);
	(v2sf) =	vpush v2, $0xC  }
0xa5: {  	[smem:s11+$0x5] =	sst s22;
	s23 =	spop (v2sf);
	(v2sf) =	vpush v1, $0xD  }
0xa6: {  	[smem:s11+$0x205] =	sst s23;
	s24 =	spop (v2sf);
	(v2sf) =	vpush v2, $0xD  }
0xa7: {  	[smem:s11+$0x6] =	sst s24;
	s25 =	spop (v2sf);
	(v2sf) =	vpush v1, $0xE  }
0xa8: {  	[smem:s11+$0x206] =	sst s25;
	s26 =	spop (v2sf);
	(v2sf) =	vpush v2, $0xE  }
0xa9: {  	[smem:s11+$0x7] =	sst s26;
	s9 =	spop (v2sf);
	(v2sf) =	vpush v1, $0xF  }
0xaa: {  	[smem:s11+$0x207] =	sst s9;
	s10 =	spop (v2sf);
	(v2sf) =	vpush v2, $0xF  }
0xab: {  	[smem:s11+$0x8] =	sst s10;
	s13 =	spop (v2sf)  }
0xac: {  	[smem:s11+$0x208] =	sst s13;
	s17 =	spop (v2sf)  }
0xad: {  	[smem:s11+$0x9] =	sst s17;
	s18 =	spop (v2sf)  }
0xae: {  	[smem:s11+$0x209] =	sst s18;
	s19 =	spop (v2sf)  }
0xaf: {  	[smem:s11+$0xA] =	sst s19;
	s20 =	spop (v2sf)  }
0xb0: {  	[smem:s11+$0x20A] =	sst s20;
	s21 =	spop (v2sf)  }
0xb1: {  	[smem:s11+$0xB] =	sst s21;
	s22 =	spop (v2sf)  }
0xb2: {  	[smem:s11+$0x20B] =	sst s22;
	s23 =	spop (v2sf)  }
0xb3: {  	[smem:s11+$0xC] =	sst s23;
	s24 =	spop (v2sf)  }
0xb4: {  	[smem:s11+$0x20C] =	sst s24;
	s25 =	spop (v2sf)  }
0xb5: {  	[smem:s11+$0xD] =	sst s25;
	s26 =	spop (v2sf)  }
0xb6: {  	[smem:s11+$0x20D] =	sst s26;
	s9 =	spop (v2sf)  }
0xb7: {  	[smem:s11+$0xE] =	sst s9;
	s10 =	spop (v2sf)  }
0xb8: {  	[smem:s11+$0x20E] =	sst s10;
	s13 =	spop (v2sf)  }
0xb9: {  	[smem:s11+$0xF] =	sst s13;
	s17 =	spop (v2sf)  }
0xba: {  	[smem:s11+$0x20F] =	sst s17  }
0xbb: {  	s0 =	sld [smem:$0x0];
	_ =	sdelay $0x2  }
0xbc: {  	s10 =	sld [smem:$0x200];
	s9 =	sand.u32 $0xFFFFF80, s0  }
0xbd: {  	s19 =	simm.s32 $0x800;
	s0 =	simm.s32 $0x0;
	s18 =	sadd.s32 s1, s9  }
0xbe: {  	[tilespmem:s0], [sflag:$0x1] =	stream.strided.gather [hbm4b:s18+s15], $0x800, s16, s15, $0x38;
	[tilespmem:$0x18700] =	vst v63  }
0xbf: {  	s22 =	sld [smem:$0x1];
	s20 =	sand.u32 $0xFFFFF80, s10;
	s9 =	sadd.s32 s3, s9  }
0xc0: {  	[tilespmem:s19], [sflag:$0x1] =	stream.strided.gather [hbm4b:s9+s15], $0x1000, s16, s15, $0x38;
	[tilespmem:$0x18700] =	vst v63  }
0xc1: {  	s21 =	simm.s32 $0x1800;
	s25 =	sld [smem:$0x201];
	s10 =	sadd.s32 s2, s20  }
0xc2: {  	[tilespmem:s21], [sflag:$0x1] =	stream.strided.gather [hbm4b:s10+s15], $0x800, s16, s15, $0x38;
	[tilespmem:$0x18700] =	vst v63  }
0xc3: {  	s23 =	simm.s32 $0x2000;
	s24 =	sand.u32 $0xFFFFF80, s22;
	s9 =	sadd.s32 s5, s20  }
0xc4: {  	[tilespmem:s23], [sflag:$0x1] =	stream.strided.gather [hbm4b:s9+s15], $0x1000, s16, s15, $0x38;
	[tilespmem:$0x18700] =	vst v63  }
0xc5: {  	s13 =	simm.s32 $0x3000;
	s17 =	sand.u32 $0xFFFFF80, s25;
	s26 =	sadd.s32 s1, s24  }
0xc6: {  	[tilespmem:s13], [sflag:$0x1] =	stream.strided.gather [hbm4b:s26+s15], $0x800, s16, s15, $0x38;
	[tilespmem:$0x18700] =	vst v63  }
0xc7: {  	s19 =	sld [smem:$0x2];
	s9 =	sadd.s32 s3, s24;
	s13 =	simm.s32 $0x3800  }
0xc8: {  	[tilespmem:s13], [sflag:$0x1] =	stream.strided.gather [hbm4b:s9+s15], $0x1000, s16, s15, $0x38;
	[tilespmem:$0x18700] =	vst v63  }
0xc9: {  	s22 =	sld [smem:$0x202];
	s18 =	simm.s32 $0x4800;
	s10 =	sadd.s32 s2, s17  }
0xca: {  	[tilespmem:s18], [sflag:$0x1] =	stream.strided.gather [hbm4b:s10+s15], $0x800, s16, s15, $0x38;
	[tilespmem:$0x18700] =	vst v63  }
0xcb: {  	s20 =	simm.s32 $0x5000;
	s21 =	sand.u32 $0xFFFFF80, s19;
	s9 =	sadd.s32 s5, s17  }
0xcc: {  	[tilespmem:s20], [sflag:$0x1] =	stream.strided.gather [hbm4b:s9+s15], $0x1000, s16, s15, $0x38;
	[tilespmem:$0x18700] =	vst v63  }
0xcd: {  	s25 =	simm.s32 $0x6800;
	s23 =	sadd.s32 s1, s21;
	s24 =	simm.s32 $0x6000  }
0xce: {  	[tilespmem:s24], [sflag:$0x1] =	stream.strided.gather [hbm4b:s23+s15], $0x800, s16, s15, $0x38;
	[tilespmem:$0x18700] =	vst v63  }
0xcf: {  	s26 =	sand.u32 $0xFFFFF80, s22;
	s17 =	sld [smem:$0x3];
	s9 =	sadd.s32 s3, s21  }
0xd0: {  	[tilespmem:s25], [sflag:$0x1] =	stream.strided.gather [hbm4b:s9+s15], $0x1000, s16, s15, $0x38;
	[tilespmem:$0x18700] =	vst v63  }
0xd1: {  	s13 =	simm.s32 $0x7800;
	s10 =	sadd.s32 s2, s26  }
0xd2: {  	[tilespmem:s13], [sflag:$0x1] =	stream.strided.gather [hbm4b:s10+s15], $0x800, s16, s15, $0x38;
	[tilespmem:$0x18700] =	vst v63  }
0xd3: {  	s18 =	simm.s32 $0x8000;
	s19 =	sand.u32 $0xFFFFF80, s17;
	s9 =	sadd.s32 s5, s26  }
0xd4: {  	[tilespmem:s18], [sflag:$0x1] =	stream.strided.gather [hbm4b:s9+s15], $0x1000, s16, s15, $0x38;
	[tilespmem:$0x18700] =	vst v63  }
0xd5: {  	s22 =	simm.s32 $0x9000;
	s20 =	sld [smem:$0x203];
	s21 =	sadd.s32 s1, s19  }
0xd6: {  	[tilespmem:s22], [sflag:$0x1] =	stream.strided.gather [hbm4b:s21+s15], $0x800, s16, s15, $0x38;
	[tilespmem:$0x18700] =	vst v63  }
0xd7: {  	s23 =	simm.s32 $0x9800;
	s9 =	sadd.s32 s3, s19  }
0xd8: {  	[tilespmem:s23], [sflag:$0x1] =	stream.strided.gather [hbm4b:s9+s15], $0x1000, s16, s15, $0x38;
	[tilespmem:$0x18700] =	vst v63  }
.Ltmp3:
0xd9: {  	s24 =	sand.u32 $0xFFFFF80, s20;
	(pc) =	sbr.rel .LBB2_4-.Ltmp3, $4  }
0xda: {  	s31 =	simm.s32 $0x200;
	s25 =	simm.s32 $0xA800;
	s10 =	sadd.s32 s2, s24  }
0xdb: {  	[tilespmem:s25], [sflag:$0x1] =	stream.strided.gather [hbm4b:s10+s15], $0x800, s16, s15, $0x38;
	[tilespmem:$0x18700] =	vst v63  }
0xdc: {  	s11 =	simm.s32 $0x0;
	s26 =	simm.s32 $0xB000;
	s9 =	sadd.s32 s5, s24  }
0xdd: {  	[tilespmem:s26], [sflag:$0x1] =	stream.strided.gather [hbm4b:s9+s15], $0x1000, s16, s15, $0x38;
	[tilespmem:$0x18700] =	vst v63  }
.LBB2_13:
0xde: {  	s11 =	sadd.s32 $0x1, s11  }
0xdf: {  	p0 =	sne.s32 s11, $0x80  }
.Ltmp4:
0xe0: {  	_ = 	snop;
	(pc) =	sbr.rel @!p0 .LBB2_14-.Ltmp4, $2  }
0xe1: {  	_ =	sdelay $0x2  }
0xe2: {  	s31 =	sadd.s32 $0x4, s31;
	s0 =	sadd.s32 $0x4, s0  }
.LBB2_4:
0xe3: {  	s9 =	sand.u32 $0x1, s11  }
0xe4: {  	p0 =	seq.s32 s9, $0x1  }
.Ltmp5:
0xe5: {  	_ = 	snop;
	(pc) =	sbr.rel @p0 .LBB2_8-.Ltmp5, $1  }
0xe6: {  	_ =	sdelay $0x3  }
0xe7: {  	s10 =	sshll.u32 s11, $0x2  }
0xe8: {  	s13 =	sor.u32 $0x4, s10  }
0xe9: {  	s13 =	sld [smem:s13+$0x0];
	_ =	sdelay $0x2  }
0xea: {  	s17 =	sld [smem:s10+$0x204];
	s13 =	sand.u32 $0xFFFFF80, s13  }
0xeb: {  	s18 =	sadd.s32 s1, s13  }
0xec: {  	[tilespmem:s12], [sflag:$0x2] =	stream.strided.gather [hbm4b:s18+s15], $0x800, s16, s15, $0x38;
	[tilespmem:$0x18700] =	vst v63  }
0xed: {  	s24 =	simm.s32 $0xC800;
	s25 =	sand.u32 $0xFFFFF80, s17;
	s13 =	sadd.s32 s3, s13  }
0xee: {  	[tilespmem:s24], [sflag:$0x2] =	stream.strided.gather [hbm4b:s13+s15], $0x1000, s16, s15, $0x38;
	[tilespmem:$0x18700] =	vst v63  }
0xef: {  	s26 =	simm.s32 $0xD800;
	s19 =	sor.u32 $0x5, s10;
	s17 =	sadd.s32 s2, s25  }
0xf0: {  	[tilespmem:s26], [sflag:$0x2] =	stream.strided.gather [hbm4b:s17+s15], $0x800, s16, s15, $0x38;
	[tilespmem:$0x18700] =	vst v63  }
0xf1: {  	s17 =	sld [smem:s19+$0x0]  }
0xf2: {  	s20 =	simm.s32 $0xE000;
	s13 =	sadd.s32 s5, s25  }
0xf3: {  	[tilespmem:s20], [sflag:$0x2] =	stream.strided.gather [hbm4b:s13+s15], $0x1000, s16, s15, $0x38;
	[tilespmem:$0x18700] =	vst v63  }
0xf4: {  	s22 =	sld [smem:s10+$0x205];
	s21 =	sand.u32 $0xFFFFF80, s17  }
0xf5: {  	s19 =	simm.s32 $0xF000;
	s23 =	sadd.s32 s1, s21  }
0xf6: {  	[tilespmem:s19], [sflag:$0x2] =	stream.strided.gather [hbm4b:s23+s15], $0x800, s16, s15, $0x38;
	[tilespmem:$0x18700] =	vst v63  }
0xf7: {  	s24 =	simm.s32 $0xF800;
	s25 =	sand.u32 $0xFFFFF80, s22;
	s13 =	sadd.s32 s3, s21  }
0xf8: {  	[tilespmem:s24], [sflag:$0x2] =	stream.strided.gather [hbm4b:s13+s15], $0x1000, s16, s15, $0x38;
	[tilespmem:$0x18700] =	vst v63  }
0xf9: {  	s18 =	sor.u32 $0x6, s10;
	s26 =	simm.s32 $0x10800;
	s17 =	sadd.s32 s2, s25  }
0xfa: {  	[tilespmem:s26], [sflag:$0x2] =	stream.strided.gather [hbm4b:s17+s15], $0x800, s16, s15, $0x38;
	[tilespmem:$0x18700] =	vst v63  }
0xfb: {  	s17 =	sld [smem:s18+$0x0]  }
0xfc: {  	s19 =	simm.s32 $0x11000;
	s13 =	sadd.s32 s5, s25  }
0xfd: {  	[tilespmem:s19], [sflag:$0x2] =	stream.strided.gather [hbm4b:s13+s15], $0x1000, s16, s15, $0x38;
	[tilespmem:$0x18700] =	vst v63  }
0xfe: {  	s21 =	sld [smem:s10+$0x206];
	s20 =	sand.u32 $0xFFFFF80, s17  }
0xff: {  	s23 =	simm.s32 $0x12000;
	s22 =	sadd.s32 s1, s20  }
0x100: {  	[tilespmem:s23], [sflag:$0x2] =	stream.strided.gather [hbm4b:s22+s15], $0x800, s16, s15, $0x38;
	[tilespmem:$0x18700] =	vst v63  }
0x101: {  	s24 =	simm.s32 $0x12800;
	s25 =	sand.u32 $0xFFFFF80, s21;
	s13 =	sadd.s32 s3, s20  }
0x102: {  	[tilespmem:s24], [sflag:$0x2] =	stream.strided.gather [hbm4b:s13+s15], $0x1000, s16, s15, $0x38;
	[tilespmem:$0x18700] =	vst v63  }
0x103: {  	s26 =	simm.s32 $0x13800;
	s18 =	sor.u32 $0x7, s10;
	s17 =	sadd.s32 s2, s25  }
0x104: {  	[tilespmem:s26], [sflag:$0x2] =	stream.strided.gather [hbm4b:s17+s15], $0x800, s16, s15, $0x38;
	[tilespmem:$0x18700] =	vst v63  }
0x105: {  	s17 =	sld [smem:s18+$0x0]  }
0x106: {  	s19 =	simm.s32 $0x14000;
	s13 =	sadd.s32 s5, s25  }
0x107: {  	[tilespmem:s19], [sflag:$0x2] =	stream.strided.gather [hbm4b:s13+s15], $0x1000, s16, s15, $0x38;
	[tilespmem:$0x18700] =	vst v63  }
0x108: {  	s21 =	sld [smem:s10+$0x207];
	s20 =	sand.u32 $0xFFFFF80, s17  }
0x109: {  	s23 =	simm.s32 $0x15000;
	s22 =	sadd.s32 s1, s20  }
0x10a: {  	[tilespmem:s23], [sflag:$0x2] =	stream.strided.gather [hbm4b:s22+s15], $0x800, s16, s15, $0x38;
	[tilespmem:$0x18700] =	vst v63  }
0x10b: {  	s24 =	simm.s32 $0x15800;
	s25 =	sand.u32 $0xFFFFF80, s21;
	s13 =	sadd.s32 s3, s20  }
0x10c: {  	[tilespmem:s24], [sflag:$0x2] =	stream.strided.gather [hbm4b:s13+s15], $0x1000, s16, s15, $0x38;
	[tilespmem:$0x18700] =	vst v63  }
0x10d: {  	s26 =	simm.s32 $0x16800;
	s17 =	sadd.s32 s2, s25  }
0x10e: {  	[tilespmem:s26], [sflag:$0x2] =	stream.strided.gather [hbm4b:s17+s15], $0x800, s16, s15, $0x38;
	[tilespmem:$0x18700] =	vst v63  }
0x10f: {  	s13 =	sadd.s32 s5, s25  }
0x110: {  	[tilespmem:s28], [sflag:$0x2] =	stream.strided.gather [hbm4b:s13+s15], $0x1000, s16, s15, $0x38;
	[tilespmem:$0x18700] =	vst v63  }
0x111: {  	_ =	swait.ge [sflag:s29], $0xC000  }
0x112: {  	p0 =	slt.u32 s11, $0x2;
	[sflag:s29] =	ssyncset.done $0x0  }
0x113: {  	s13 =	simm.s32 @!p0 $0x3;
	[sflag:s29] =	ssyncadd.s32 $0xFFFF4000  }
0x114: {  	_ =	swait.ge @!p0 [sflag:s13], $0x140  }
0x115: {  	[sflag:s13] =	ssyncset.done @!p0 $0x0  }
0x116: {  	s21 =	simm.s32 $0x30;
	[sflag:s13] =	ssyncadd.s32 @!p0 $0xFFFFFEC0  }
0x117: {  	v4 =	vmov s21;
	s23 =	simm.s32 $0x0;
	s24 =	sld [smem:s0+$0x0]  }
0x118: {  	v4 =	vshll.u32 v4, $0x7;
	s22 =	simm.s32 $0x40;
	v3 =	vmov s23;
	s20 =	sld [smem:s31+$0x0]  }
0x119: {  	v4 =	vor.u32 v0, v4;
	s19 =	simm.s32 $0x50;
	v1 =	vmov s22;
	v3 =	vshll.u32 v3, $0x7  }
0x11a: {  	v2 =	vmov s19;
	v1 =	vshll.u32 v1, $0x7;
	v3 =	vor.u32 v0, v3;
	s25 =	sand.u32 $0x7F, s24  }
0x11b: {  	s19 =	simm.s32 $0x20;
	v2 =	vshll.u32 v2, $0x7;
	v1 =	vor.u32 v0, v1;
	s26 =	sand.u32 $0x7F, s20;
	v3 =	vor.u32 s25, v3  }
0x11c: {  	v5 =	vmov s19;
	s20 =	simm.s32 $0x10;
	v6 =	vor.u32 s26, v1;
	v1 =	vor.u32 v0, v2  }
0x11d: {  	v2 =	vshll.u32 v5, $0x7;
	v5 =	vmov s20;
	v4 =	vor.u32 s26, v4  }
0x11e: {  	v7 =	vor.u32 s26, v1;
	v1 =	vor.u32 v0, v2;
	v2 =	vshll.u32 v5, $0x7  }
0x11f: {  	v5 =	vor.u32 s25, v1;
	v2 =	vor.u32 v0, v2  }
0x120: {  	s21 =	simm.s32 $0xB0;
	s17 =	sadd.s32 $0x1, s31;
	v10 =	vor.u32 s25, v2;
	v1 =	vld.idx.msk [tilespmem:v3+s6+$0x0], $0xffff  }
0x121: {  	s18 =	sadd.s32 $0x1, s0;
	s23 =	simm.s32 $0xA0;
	s26 =	sld [smem:s17+$0x0];
	v2 =	vld.idx.msk [tilespmem:v6+s6+$0x0], $0xffff  }
0x122: {  	v8 =	vmov s21;
	s22 =	simm.s32 $0x90;
	s24 =	sld [smem:s18+$0x0];
	s25 =	simm.s32 $0x60;
	v6 =	vmov s23;
	v4 =	vld.idx.msk [tilespmem:v4+s6+$0x0], $0xffff  }
0x123: {  	s19 =	simm.s32 $0x18420;
	v11 =	vmov s22;
	v3 =	vld.idx.msk [tilespmem:v7+s6+$0x0], $0xffff;
	v7 =	vmov s25;
	v6 =	vshll.u32 v6, $0x7  }
0x124: {  	v11 =	vshll.u32 v11, $0x7;
	s13 =	simm.s32 $0x18420;
	s22 =	sand.u32 $0x7F, s26;
	s26 =	simm.s32 $0x80;
	v5 =	vld.idx.msk [tilespmem:v5+s6+$0x0], $0xffff;
	v9 =	vshll.u32 v7, $0x7;
	v6 =	vor.u32 v0, v6  }
0x125: {  	s20 =	simm.s32 $0x110;
	s21 =	sand.u32 $0x7F, s24;
	s23 =	simm.s32 $0x70;
	v7 =	vld.idx.msk [tilespmem:v10+s6+$0x0], $0xffff;
	v10 =	vor.u32 v0, v11;
	v11 =	vmov s26;
	v6 =	vor.u32 s22, v6  }
.LBB2_6:
0x126: {  	p0 =	sne.s32 s20, $0x170  }
0x127: {  	v9 =	vor.u32 v0, v9;
	v10 =	vor.u32 s22, v10;
	v11 =	vshll.u32 v11, $0x7;
	s13 =	sadd.s32 $0x50, s13;
	s24 =	smov.u32 s20;
	s20 =	sadd.s32 $0x60, s20  }
0x128: {  	v8 =	vshll.u32 v8, $0x7;
	v9 =	vor.u32 s21, v9;
	v11 =	vor.u32 v0, v11;
	[tilespmem:s19+$0x20] =	vst v3  }
0x129: {  	v3 =	vor.u32 v0, v8;
	v1 =	vmul.f32 v4, v1;
	v11 =	vor.u32 s21, v11;
	[tilespmem:s19+$0x10] =	vst v2  }
0x12a: {  	v2 =	vmov s23;
	v3 =	vor.u32 s22, v3;
	[tilespmem:s19+$0x0] =	vst v5  }
0x12b: {  	v2 =	vshll.u32 v2, $0x7;
	[tilespmem:s19+$0xFFFFFFE0] =	vst v1  }
0x12c: {  	v2 =	vor.u32 v0, v2;
	[tilespmem:s19+$0xFFFFFFF0] =	vst v7;
	s19 =	smov.u32 s13  }
0x12d: {  	v7 =	vor.u32 s21, v2;
	v1 =	vld.idx.msk [tilespmem:v9+s6+$0x0], $0xffff  }
0x12e: {  	s17 =	sadd.s32 $0x1, s17;
	s18 =	sadd.s32 $0x1, s18;
	v2 =	vld.idx.msk [tilespmem:v6+s6+$0x0], $0xffff  }
.Ltmp6:
0x12f: {  	s22 =	sadd.s32 $0xFFFFFFF0, s24;
	s21 =	sld [smem:s17+$0x0];
	v3 =	vld.idx.msk [tilespmem:v3+s6+$0x0], $0xffff;
	(pc) =	sbr.rel @p0 .LBB2_6-.Ltmp6, $4  }
0x130: {  	s26 =	sadd.s32 $0xFFFFFFE0, s24;
	v8 =	vmov s24;
	s23 =	sadd.s32 $0xFFFFFFB0, s24;
	v5 =	vmov s22;
	s25 =	sld [smem:s18+$0x0];
	v4 =	vld.idx.msk [tilespmem:v10+s6+$0x0], $0xffff  }
0x131: {  	v12 =	vshll.u32 v5, $0x7;
	v6 =	vmov s23;
	v10 =	vmov s26;
	v5 =	vld.idx.msk [tilespmem:v11+s6+$0x0], $0xffff  }
0x132: {  	v12 =	vor.u32 v0, v12;
	s23 =	sadd.s32 $0xFFFFFFC0, s24;
	s24 =	sadd.s32 $0xFFFFFFD0, s24;
	v9 =	vshll.u32 v6, $0x7;
	v6 =	vshll.u32 v10, $0x7;
	s22 =	sand.u32 $0x7F, s21;
	v7 =	vld.idx.msk [tilespmem:v7+s6+$0x0], $0xffff  }
0x133: {  	v11 =	vmov s24;
	v10 =	vor.u32 v0, v6;
	s21 =	sand.u32 $0x7F, s25;
	v6 =	vor.u32 s22, v12  }
0x134: {  	v9 =	vor.u32 v0, v9;
	[tilespmem:s19+$0x20] =	vst v3  }
0x135: {  	v8 =	vshll.u32 v8, $0x7;
	[tilespmem:s19+$0x10] =	vst v2;
	v61 =	vor.u32 s22, v10;
	v1 =	vmul.f32 v4, v1  }
0x136: {  	v2 =	vshll.u32 v11, $0x7;
	v9 =	vor.u32 s21, v9;
	v3 =	vor.u32 v0, v8;
	[tilespmem:s19+$0x0] =	vst v5  }
0x137: {  	v62 =	vmov s23;
	v2 =	vor.u32 v0, v2;
	v3 =	vor.u32 s22, v3;
	[tilespmem:s19+$0xFFFFFFE0] =	vst v1  }
0x138: {  	v1 =	vor.u32 s21, v2;
	v2 =	vshll.u32 v62, $0x7;
	[tilespmem:s19+$0xFFFFFFF0] =	vst v7  }
0x139: {  	v2 =	vor.u32 v0, v2;
	v6 =	vld.idx.msk [tilespmem:v6+s6+$0x0], $0xffff  }
0x13a: {  	v2 =	vor.u32 s21, v2;
	v4 =	vld.idx.msk [tilespmem:v61+s6+$0x0], $0xffff  }
0x13b: {  	v63 =	vld.idx.msk [tilespmem:v9+s6+$0x0], $0xffff  }
0x13c: {  	v3 =	vld.idx.msk [tilespmem:v3+s6+$0x0], $0xffff  }
0x13d: {  	v1 =	vld.idx.msk [tilespmem:v1+s6+$0x0], $0xffff;
	_ =	sdelay $0x1  }
0x13e: {  	s13 =	sadd.s32 $0x50, s13;
	v2 =	vld.idx.msk [tilespmem:v2+s6+$0x0], $0xffff  }
0x13f: {  	p0 =	seq.s32 s9, $0x0;
	[tilespmem:s13+$0x10] =	vst v6  }
.Ltmp7:
0x140: {  	s10 =	sadd.s32 s7, s10;
	[tilespmem:s13+$0x20] =	vst v3;
	v3 =	vmul.f32 v4, v63;
	(pc) =	sbr.rel @p0 .LBB2_13-.Ltmp7, $4  }
0x141: {  	s10 =	smul.u32 $0xA, s10;
	[tilespmem:s13+$0x0] =	vst v1  }
0x142: {  	[tilespmem:s13+$0xFFFFFFE0] =	vst v3  }
0x143: {  	s10 =	sadd.s32 s8, s10;
	[tilespmem:s13+$0xFFFFFFF0] =	vst v2  }
0x144: {  	[hbm4b:s10+s6] =	stream.linear.scatter [tilespmem:s30], [sflag:$0x3], $0x140, $0x38;
	[tilespmem:$0x18700] =	vst v63  }
.LBB2_8:
0x145: {  	p0 =	seq.s32 s11, $0x7F  }
.Ltmp8:
0x146: {  	_ = 	snop;
	(pc) =	sbr.rel @p0 .LBB2_10-.Ltmp8, $1  }
0x147: {  	_ =	sdelay $0x3  }
0x148: {  	s9 =	sshll.u32 s11, $0x2  }
0x149: {  	s10 =	sld [smem:s9+$0x4];
	_ =	sdelay $0x2  }
0x14a: {  	s18 =	sld [smem:s9+$0x204];
	s10 =	sand.u32 $0xFFFFF80, s10  }
0x14b: {  	s17 =	simm.s32 $0x800;
	s13 =	sadd.s32 s1, s10  }
0x14c: {  	[tilespmem:s6], [sflag:$0x1] =	stream.strided.gather [hbm4b:s13+s15], $0x800, s16, s15, $0x38;
	[tilespmem:$0x18700] =	vst v63  }
0x14d: {  	s21 =	sld [smem:s9+$0x5];
	s19 =	sand.u32 $0xFFFFF80, s18;
	s10 =	sadd.s32 s3, s10  }
0x14e: {  	[tilespmem:s17], [sflag:$0x1] =	stream.strided.gather [hbm4b:s10+s15], $0x1000, s16, s15, $0x38;
	[tilespmem:$0x18700] =	vst v63  }
0x14f: {  	s20 =	simm.s32 $0x1800;
	s22 =	simm.s32 $0x2000;
	s13 =	sadd.s32 s2, s19  }
0x150: {  	[tilespmem:s20], [sflag:$0x1] =	stream.strided.gather [hbm4b:s13+s15], $0x800, s16, s15, $0x38;
	[tilespmem:$0x18700] =	vst v63  }
0x151: {  	s25 =	sld [smem:s9+$0x205];
	s23 =	sand.u32 $0xFFFFF80, s21;
	s10 =	sadd.s32 s5, s19  }
0x152: {  	[tilespmem:s22], [sflag:$0x1] =	stream.strided.gather [hbm4b:s10+s15], $0x1000, s16, s15, $0x38;
	[tilespmem:$0x18700] =	vst v63  }
0x153: {  	s24 =	simm.s32 $0x3000;
	s26 =	simm.s32 $0x3800;
	s13 =	sadd.s32 s1, s23  }
0x154: {  	[tilespmem:s24], [sflag:$0x1] =	stream.strided.gather [hbm4b:s13+s15], $0x800, s16, s15, $0x38;
	[tilespmem:$0x18700] =	vst v63  }
0x155: {  	s18 =	sand.u32 $0xFFFFF80, s25;
	s20 =	sld [smem:s9+$0x6];
	s10 =	sadd.s32 s3, s23  }
0x156: {  	[tilespmem:s26], [sflag:$0x1] =	stream.strided.gather [hbm4b:s10+s15], $0x1000, s16, s15, $0x38;
	[tilespmem:$0x18700] =	vst v63  }
0x157: {  	s21 =	simm.s32 $0x5000;
	s19 =	simm.s32 $0x4800;
	s13 =	sadd.s32 s2, s18  }
0x158: {  	[tilespmem:s19], [sflag:$0x1] =	stream.strided.gather [hbm4b:s13+s15], $0x800, s16, s15, $0x38;
	[tilespmem:$0x18700] =	vst v63  }
0x159: {  	s22 =	sand.u32 $0xFFFFF80, s20;
	s24 =	sld [smem:s9+$0x206];
	s10 =	sadd.s32 s5, s18  }
0x15a: {  	[tilespmem:s21], [sflag:$0x1] =	stream.strided.gather [hbm4b:s10+s15], $0x1000, s16, s15, $0x38;
	[tilespmem:$0x18700] =	vst v63  }
0x15b: {  	s25 =	simm.s32 $0x6800;
	s23 =	simm.s32 $0x6000;
	s13 =	sadd.s32 s1, s22  }
0x15c: {  	[tilespmem:s23], [sflag:$0x1] =	stream.strided.gather [hbm4b:s13+s15], $0x800, s16, s15, $0x38;
	[tilespmem:$0x18700] =	vst v63  }
0x15d: {  	s26 =	sand.u32 $0xFFFFF80, s24;
	s19 =	sld [smem:s9+$0x7];
	s10 =	sadd.s32 s3, s22  }
0x15e: {  	[tilespmem:s25], [sflag:$0x1] =	stream.strided.gather [hbm4b:s10+s15], $0x1000, s16, s15, $0x38;
	[tilespmem:$0x18700] =	vst v63  }
0x15f: {  	s20 =	simm.s32 $0x8000;
	s18 =	simm.s32 $0x7800;
	s13 =	sadd.s32 s2, s26  }
0x160: {  	[tilespmem:s18], [sflag:$0x1] =	stream.strided.gather [hbm4b:s13+s15], $0x800, s16, s15, $0x38;
	[tilespmem:$0x18700] =	vst v63  }
0x161: {  	s9 =	sld [smem:s9+$0x207];
	s21 =	sand.u32 $0xFFFFF80, s19;
	s10 =	sadd.s32 s5, s26  }
0x162: {  	[tilespmem:s20], [sflag:$0x1] =	stream.strided.gather [hbm4b:s10+s15], $0x1000, s16, s15, $0x38;
	[tilespmem:$0x18700] =	vst v63  }
0x163: {  	s22 =	simm.s32 $0x9000;
	s13 =	sadd.s32 s1, s21  }
0x164: {  	[tilespmem:s22], [sflag:$0x1] =	stream.strided.gather [hbm4b:s13+s15], $0x800, s16, s15, $0x38;
	[tilespmem:$0x18700] =	vst v63  }
0x165: {  	s9 =	sand.u32 $0xFFFFF80, s9;
	s23 =	simm.s32 $0x9800;
	s10 =	sadd.s32 s3, s21  }
0x166: {  	[tilespmem:s23], [sflag:$0x1] =	stream.strided.gather [hbm4b:s10+s15], $0x1000, s16, s15, $0x38;
	[tilespmem:$0x18700] =	vst v63  }
0x167: {  	s24 =	sadd.s32 s2, s9;
	s25 =	simm.s32 $0xA800  }
0x168: {  	[tilespmem:s25], [sflag:$0x1] =	stream.strided.gather [hbm4b:s24+s15], $0x800, s16, s15, $0x38;
	[tilespmem:$0x18700] =	vst v63  }
0x169: {  	s9 =	sadd.s32 s5, s9;
	s26 =	simm.s32 $0xB000  }
0x16a: {  	[tilespmem:s26], [sflag:$0x1] =	stream.strided.gather [hbm4b:s9+s15], $0x1000, s16, s15, $0x38;
	[tilespmem:$0x18700] =	vst v63  }
.LBB2_10:
0x16b: {  	_ =	swait.ge [sflag:s4], $0xC000  }
0x16c: {  	p0 =	slt.u32 s11, $0x2;
	[sflag:s4] =	ssyncset.done $0x0  }
0x16d: {  	s9 =	simm.s32 @!p0 $0x4;
	[sflag:s4] =	ssyncadd.s32 $0xFFFF4000  }
0x16e: {  	_ =	swait.ge @!p0 [sflag:s9], $0x140  }
0x16f: {  	[sflag:s9] =	ssyncset.done @!p0 $0x0  }
0x170: {  	s25 =	simm.s32 $0x50;
	[sflag:s9] =	ssyncadd.s32 @!p0 $0xFFFFFEC0  }
0x171: {  	s10 =	simm.s32 $0x40;
	s13 =	simm.s32 $0x0;
	s17 =	sld [smem:s0+$0x0]  }
0x172: {  	s19 =	simm.s32 $0x30;
	s20 =	simm.s32 $0x20;
	v1 =	vmov s10;
	v2 =	vmov s25;
	v3 =	vmov s13;
	s18 =	sld [smem:s31+$0x0]  }
0x173: {  	v4 =	vmov s19;
	v5 =	vmov s20;
	v3 =	vshll.u32 v3, $0x7  }
0x174: {  	v1 =	vshll.u32 v1, $0x7;
	v4 =	vshll.u32 v4, $0x7;
	v3 =	vor.u32 v0, v3;
	s26 =	sand.u32 $0x7F, s17  }
0x175: {  	v2 =	vshll.u32 v2, $0x7;
	v1 =	vor.u32 v0, v1;
	s19 =	sand.u32 $0x7F, s18;
	v3 =	vor.u32 s26, v3  }
0x176: {  	s21 =	simm.s32 $0x10;
	v4 =	vor.u32 v0, v4;
	v6 =	vor.u32 s19, v1;
	v1 =	vor.u32 v0, v2  }
0x177: {  	v2 =	vshll.u32 v5, $0x7;
	v5 =	vmov s21;
	v4 =	vor.u32 s19, v4  }
0x178: {  	v7 =	vor.u32 s19, v1;
	v1 =	vor.u32 v0, v2;
	v2 =	vshll.u32 v5, $0x7  }
0x179: {  	v5 =	vor.u32 s26, v1;
	v2 =	vor.u32 v0, v2  }
0x17a: {  	s22 =	simm.s32 $0xB0;
	s13 =	sadd.s32 $0x1, s31;
	v10 =	vor.u32 s26, v2;
	v1 =	vld.idx.msk [tilespmem:v3+s12+$0x0], $0xffff  }
0x17b: {  	s24 =	simm.s32 $0xA0;
	s23 =	sld [smem:s13+$0x0];
	s17 =	sadd.s32 $0x1, s0;
	v2 =	vld.idx.msk [tilespmem:v6+s12+$0x0], $0xffff  }
0x17c: {  	s25 =	simm.s32 $0x60;
	v8 =	vmov s22;
	s20 =	sld [smem:s17+$0x0];
	s21 =	simm.s32 $0x90;
	v6 =	vmov s24;
	v4 =	vld.idx.msk [tilespmem:v4+s12+$0x0], $0xffff  }
0x17d: {  	s10 =	simm.s32 $0x185A0;
	s22 =	simm.s32 $0x70;
	v11 =	vmov s21;
	v3 =	vld.idx.msk [tilespmem:v7+s12+$0x0], $0xffff;
	v7 =	vmov s25;
	v6 =	vshll.u32 v6, $0x7  }
0x17e: {  	s9 =	sshll.u32 s11, $0x2;
	s21 =	sand.u32 $0x7F, s23;
	v11 =	vshll.u32 v11, $0x7;
	s26 =	simm.s32 $0x80;
	v5 =	vld.idx.msk [tilespmem:v5+s12+$0x0], $0xffff;
	v9 =	vshll.u32 v7, $0x7;
	v6 =	vor.u32 v0, v6  }
0x17f: {  	s18 =	simm.s32 $0x185A0;
	s19 =	simm.s32 $0x110;
	s20 =	sand.u32 $0x7F, s20;
	v7 =	vld.idx.msk [tilespmem:v10+s12+$0x0], $0xffff;
	v10 =	vor.u32 v0, v11;
	v11 =	vmov s26;
	v6 =	vor.u32 s21, v6  }
.LBB2_11:
0x180: {  	p0 =	sne.s32 s19, $0x170  }
0x181: {  	v9 =	vor.u32 v0, v9;
	v10 =	vor.u32 s21, v10;
	v11 =	vshll.u32 v11, $0x7;
	s10 =	sadd.s32 $0x50, s10;
	s23 =	smov.u32 s19;
	s19 =	sadd.s32 $0x60, s19  }
0x182: {  	v8 =	vshll.u32 v8, $0x7;
	v9 =	vor.u32 s20, v9;
	v11 =	vor.u32 v0, v11;
	[tilespmem:s18+$0x20] =	vst v3  }
0x183: {  	v3 =	vor.u32 v0, v8;
	v1 =	vmul.f32 v4, v1;
	v11 =	vor.u32 s20, v11;
	[tilespmem:s18+$0x10] =	vst v2  }
0x184: {  	v2 =	vmov s22;
	v3 =	vor.u32 s21, v3;
	[tilespmem:s18+$0x0] =	vst v5  }
0x185: {  	v2 =	vshll.u32 v2, $0x7;
	[tilespmem:s18+$0xFFFFFFE0] =	vst v1  }
0x186: {  	v2 =	vor.u32 v0, v2;
	[tilespmem:s18+$0xFFFFFFF0] =	vst v7;
	s18 =	smov.u32 s10  }
0x187: {  	v7 =	vor.u32 s20, v2;
	v1 =	vld.idx.msk [tilespmem:v9+s12+$0x0], $0xffff  }
0x188: {  	s13 =	sadd.s32 $0x1, s13;
	s17 =	sadd.s32 $0x1, s17;
	v2 =	vld.idx.msk [tilespmem:v6+s12+$0x0], $0xffff  }
.Ltmp9:
0x189: {  	s21 =	sadd.s32 $0xFFFFFFF0, s23;
	s20 =	sld [smem:s13+$0x0];
	v3 =	vld.idx.msk [tilespmem:v3+s12+$0x0], $0xffff;
	(pc) =	sbr.rel @p0 .LBB2_11-.Ltmp9, $4  }
0x18a: {  	s25 =	sadd.s32 $0xFFFFFFE0, s23;
	v8 =	vmov s23;
	s22 =	sadd.s32 $0xFFFFFFB0, s23;
	v5 =	vmov s21;
	s24 =	sld [smem:s17+$0x0];
	v4 =	vld.idx.msk [tilespmem:v10+s12+$0x0], $0xffff  }
0x18b: {  	v12 =	vshll.u32 v5, $0x7;
	v6 =	vmov s22;
	v10 =	vmov s25;
	v5 =	vld.idx.msk [tilespmem:v11+s12+$0x0], $0xffff  }
0x18c: {  	v12 =	vor.u32 v0, v12;
	s22 =	sadd.s32 $0xFFFFFFC0, s23;
	s23 =	sadd.s32 $0xFFFFFFD0, s23;
	v9 =	vshll.u32 v6, $0x7;
	v6 =	vshll.u32 v10, $0x7;
	s21 =	sand.u32 $0x7F, s20;
	v7 =	vld.idx.msk [tilespmem:v7+s12+$0x0], $0xffff  }
0x18d: {  	v11 =	vmov s23;
	v10 =	vor.u32 v0, v6;
	s20 =	sand.u32 $0x7F, s24;
	v6 =	vor.u32 s21, v12  }
0x18e: {  	v9 =	vor.u32 v0, v9;
	[tilespmem:s18+$0x20] =	vst v3  }
0x18f: {  	v8 =	vshll.u32 v8, $0x7;
	[tilespmem:s18+$0x10] =	vst v2;
	v61 =	vor.u32 s21, v10;
	v1 =	vmul.f32 v4, v1  }
0x190: {  	v2 =	vshll.u32 v11, $0x7;
	v9 =	vor.u32 s20, v9;
	v3 =	vor.u32 v0, v8;
	[tilespmem:s18+$0x0] =	vst v5  }
0x191: {  	v62 =	vmov s22;
	v2 =	vor.u32 v0, v2;
	v3 =	vor.u32 s21, v3;
	[tilespmem:s18+$0xFFFFFFE0] =	vst v1  }
0x192: {  	v1 =	vor.u32 s20, v2;
	v2 =	vshll.u32 v62, $0x7;
	[tilespmem:s18+$0xFFFFFFF0] =	vst v7  }
0x193: {  	v2 =	vor.u32 v0, v2;
	v6 =	vld.idx.msk [tilespmem:v6+s12+$0x0], $0xffff  }
0x194: {  	v2 =	vor.u32 s20, v2;
	v4 =	vld.idx.msk [tilespmem:v61+s12+$0x0], $0xffff  }
0x195: {  	v63 =	vld.idx.msk [tilespmem:v9+s12+$0x0], $0xffff  }
0x196: {  	v3 =	vld.idx.msk [tilespmem:v3+s12+$0x0], $0xffff  }
0x197: {  	v1 =	vld.idx.msk [tilespmem:v1+s12+$0x0], $0xffff;
	_ =	sdelay $0x1  }
0x198: {  	s10 =	sadd.s32 $0x50, s10;
	v2 =	vld.idx.msk [tilespmem:v2+s12+$0x0], $0xffff  }
0x199: {  	[tilespmem:s10+$0x10] =	vst v6  }
.Ltmp10:
0x19a: {  	s9 =	sadd.s32 s7, s9;
	[tilespmem:s10+$0x20] =	vst v3;
	v3 =	vmul.f32 v4, v63;
	(pc) =	sbr.rel .LBB2_13-.Ltmp10, $4  }
0x19b: {  	s9 =	smul.u32 $0xA, s9;
	[tilespmem:s10+$0x0] =	vst v1  }
0x19c: {  	[tilespmem:s10+$0xFFFFFFE0] =	vst v3  }
0x19d: {  	s9 =	sadd.s32 s8, s9;
	[tilespmem:s10+$0xFFFFFFF0] =	vst v2  }
0x19e: {  	[hbm4b:s9+s6] =	stream.linear.scatter [tilespmem:s14], [sflag:$0x4], $0x140, $0x38;
	[tilespmem:$0x18700] =	vst v63  }
.LBB2_15:
0x19f: {  	_ =	sfence.sel $0x180000  }
0x1a0: {  	[bflag:$0x0] =	sbarrier.arrive $0xFFFF  }
0x1a1: {  	_ =	strace $0x90000047  }
0x1a2: {  	s0 =	stileid.u32;
	[bflag:$0x2] =	sbarrier.arrive $0xFFFF  }
0x1a3: {  	p0 =	sne.s32 s0, $0x0;
	s0 =	rddreg [dreg:$0x7]  }
0x1a4: {  	s0 =	sadd.s32 @!p0 $0x100000, s0  }
0x1a5: {  	[sflag:s0] =	ssyncadd.tile.s32 @!p0 $0x1;
	_ =	shalt  }
.Lfunc_end2:
_tile_overlayer_lowered:
.L_overlay_start_2:
0x1a6: {  	(tag) =	ssettag $0x2  }
0x1a7: {  	s0 =	rddreg [dreg:$0x0];
	s2 =	stileid.u32  }
0x1a8: {  	s1 =	rddreg [dreg:$0x1];
	p0 =	sne.s32 s2, $0x0  }
0x1a9: {  	s3 =	rddreg [dreg:$0x2];
	[bflag:$0x3] =	sbarrier.arrive $0xFFFF;
	s2 =	simm.s32 @!p0 $0x1C05  }
0x1aa: {  	[timem:s3], [sflag:s2] =	dma.local @!p0 [hbm:s0], s1  }
0x1ab: {  	s0 =	simm.s32 @!p0 $0x5  }
0x1ac: {  	_ =	swait.ge @!p0 [sflag:s0], s1  }
0x1ad: {  	s1 =	ssub.s32 @!p0 $0x0, s1;
	[sflag:s0] =	ssyncset.done @!p0 $0x0  }
0x1ae: {  	[sflag:s0] =	ssyncadd.s32 @!p0 s1  }
0x1af: {  	[bflag:$0x3] =	sbarrier.arrive $0xFFFF  }
0x1b0: {  	_ =	shalt  }

</sc_bundles>
